<compile_context>
chip_gen: v7x
topology: tpu7x:2x2x1
jax: 0.10.2.dev20260603
libtpu: 0.0.44.dev20260713+nightly
codegen_flags: <defaults>
</compile_context>

<pallas_src>
import jax
import jax.numpy as jnp
from jax import lax
from jax.experimental import pallas as pl
from jax.experimental.pallas import tpu as pltpu
from jax.experimental.pallas import tpu_sc as plsc

N = 64
CH = 30
CELLS = 14 * 14
NC, NS, L = 2, 16, 16
NW = NC * NS
BG = N // L
TASKS = CELLS * BG
BASE_T = TASKS // NW
EXTRA = TASKS - BASE_T * NW
CSPAN = 7
INV14 = 1.0 / 14.0


def _sqrtf(x):
    i = lax.bitcast_convert_type(x, jnp.int32)
    y = lax.bitcast_convert_type(0x5F3759DF - (i >> 1), jnp.float32)
    xh = 0.5 * x
    for _ in range(3):
        y = y * (1.5 - xh * y * y)
    return x * y


def _contrib(pv, tv, cl, b0):
    def g(ref, c):
        return ref[cl, c, pl.ds(b0, L)]

    t4 = g(tv, 4)
    coo = t4 > 0.0
    noo = t4 == 0.0
    p4 = g(pv, 4)
    p9 = g(pv, 9)
    t9 = g(tv, 9)
    d4 = p4 - t4
    d9 = p9 - t9
    noobj = d4 * d4 + d9 * d9

    cls = None
    for c in range(10, 30):
        d = g(pv, c) - g(tv, c)
        cls = d * d if cls is None else cls + d * d

    p0, p1, p2, p3 = g(pv, 0), g(pv, 1), g(pv, 2), g(pv, 3)
    p5, p6, p7, p8 = g(pv, 5), g(pv, 6), g(pv, 7), g(pv, 8)
    t0, t1, t2, t3 = g(tv, 0), g(tv, 1), g(tv, 2), g(tv, 3)
    t5, t6, t7, t8 = g(tv, 5), g(tv, 6), g(tv, 7), g(tv, 8)

    tltx = t0 * INV14 - 0.5 * t2
    trbx = t0 * INV14 + 0.5 * t2
    tlty = t1 * INV14 - 0.5 * t3
    trby = t1 * INV14 + 0.5 * t3
    area2 = (trbx - tltx) * (trby - tlty)

    def iou_parts(cx, cy, w, h):
        ltx = cx * INV14 - 0.5 * w
        rbx = cx * INV14 + 0.5 * w
        lty = cy * INV14 - 0.5 * h
        rby = cy * INV14 + 0.5 * h
        wx = jnp.maximum(jnp.minimum(rbx, trbx) - jnp.maximum(ltx, tltx), 0.0)
        wy = jnp.maximum(jnp.minimum(rby, trby) - jnp.maximum(lty, tlty), 0.0)
        inter = wx * wy
        a1 = (rbx - ltx) * (rby - lty)
        return inter, a1 + area2 - inter

    inter0, den0 = iou_parts(p0, p1, p2, p3)
    inter1, den1 = iou_parts(p5, p6, p7, p8)
    sel0 = inter0 * den1 >= inter1 * den0

    rx = jnp.where(sel0, p0, p5)
    ry = jnp.where(sel0, p1, p6)
    rw = jnp.where(sel0, p2, p7)
    rh = jnp.where(sel0, p3, p8)
    rc = jnp.where(sel0, p4, p9)
    oc = jnp.where(sel0, p9, p4)
    sx = jnp.where(sel0, t0, t5)
    sy = jnp.where(sel0, t1, t6)
    sw = jnp.where(sel0, t2, t7)
    sh = jnp.where(sel0, t3, t8)

    dx = rx - sx
    dy = ry - sy
    wh2 = rw + sw - 2.0 * _sqrtf(rw * sw) + rh + sh - 2.0 * _sqrtf(rh * sh)
    loc = dx * dx + dy * dy + wh2

    obj = 5.0 * loc + 2.0 * (rc * rc) + oc * oc + cls
    return jnp.where(coo, obj, 0.0) + jnp.where(noo, 0.5 * noobj, 0.0)


def _body(pred_hbm, target_hbm, out_hbm, pv, tv, acc_v, sem_p, sem_t, sem_p2, sem_t2):
    wid = lax.axis_index("s") * NC + lax.axis_index("c")
    start = wid * BASE_T + jnp.minimum(wid, EXTRA)
    cnt = BASE_T + jnp.where(wid < EXTRA, 1, 0)
    kbase = jnp.minimum(start // BG, CELLS - CSPAN)
    HEAD = 2
    cph = pltpu.async_copy(pred_hbm.at[pl.ds(kbase, HEAD)], pv.at[pl.ds(0, HEAD)], sem_p)
    cth = pltpu.async_copy(target_hbm.at[pl.ds(kbase, HEAD)], tv.at[pl.ds(0, HEAD)], sem_t)
    cpt = pltpu.async_copy(
        pred_hbm.at[pl.ds(kbase + HEAD, CSPAN - HEAD)], pv.at[pl.ds(HEAD, CSPAN - HEAD)], sem_p2)
    ctt = pltpu.async_copy(
        target_hbm.at[pl.ds(kbase + HEAD, CSPAN - HEAD)], tv.at[pl.ds(HEAD, CSPAN - HEAD)], sem_t2)
    thead = (kbase + HEAD) * BG - start

    def step(i, acc):
        @pl.when(i == 0)
        def _():
            cph.wait()
            cth.wait()

        @pl.when(i == thead)
        def _():
            cpt.wait()
            ctt.wait()

        t = start + i
        k = t // BG
        b0 = (t - k * BG) * L
        return acc + _contrib(pv, tv, k - kbase, b0)

    acc = lax.fori_loop(0, cnt, step, jnp.zeros((L,), jnp.float32))

    acc_v[...] = acc
    pltpu.sync_copy(acc_v, out_hbm.at[wid])


@jax.jit
def kernel(pred, target):
    pt = jnp.transpose(pred, (1, 2, 3, 0)).reshape(CELLS, CH, N)
    tt = jnp.transpose(target, (1, 2, 3, 0)).reshape(CELLS, CH, N)
    partials = pl.kernel(
        _body,
        out_type=jax.ShapeDtypeStruct((NW, L), jnp.float32),
        mesh=plsc.VectorSubcoreMesh(core_axis_name="c", subcore_axis_name="s"),
        scratch_types=[
            pltpu.VMEM((CSPAN, CH, N), jnp.float32),
            pltpu.VMEM((CSPAN, CH, N), jnp.float32),
            pltpu.VMEM((L,), jnp.float32),
            pltpu.SemaphoreType.DMA,
            pltpu.SemaphoreType.DMA,
            pltpu.SemaphoreType.DMA,
            pltpu.SemaphoreType.DMA,
        ],
    )(pt, tt)
    return jnp.sum(partials) / N

# --- scband reference (transcript-rebuilt; emitter-appended) ---
"""Pipeline reference for scband-yolo-loss-19078244729063 (READ-ONLY COPY).

The authoritative reference and input builder live on the scoring server;
editing this copy changes nothing except your own understanding.
"""

import jax, jax.numpy as jnp
import numpy as np


def setup_inputs(seed: int = 0) -> dict:
    key = jax.random.key(seed)
    k1, k2 = jax.random.split(key)
    pred = jax.random.uniform(k1, (64, 14, 14, 30), dtype=jnp.float32)
    target = jax.random.uniform(k2, (64, 14, 14, 30), dtype=jnp.float32)
    return {"pred": pred, "target": target}


def reference(pred, target):
    N = pred.shape[0]
    pc = pred.reshape(-1, 30)
    tc = target.reshape(-1, 30)
    coo = tc[:, 4] > 0
    noo = tc[:, 4] == 0
    # noobj loss: conf channels 4 and 9 of no-object cells vs target
    noobj_loss = jnp.sum(jnp.where(noo, (pc[:, 4] - tc[:, 4]) ** 2 + (pc[:, 9] - tc[:, 9]) ** 2, 0.0))
    # class loss over object cells
    class_loss = jnp.sum(jnp.where(coo[:, None], (pc[:, 10:] - tc[:, 10:]) ** 2, 0.0))
    # per-cell pair of boxes [C, 2, 5]
    bp = pc[:, :10].reshape(-1, 2, 5)
    bt = tc[:, :10].reshape(-1, 2, 5)
    p_lt = bp[:, :, :2] / 14.0 - 0.5 * bp[:, :, 2:4]
    p_rb = bp[:, :, :2] / 14.0 + 0.5 * bp[:, :, 2:4]
    t0 = bt[:, 0, :]
    t_lt = t0[:, :2] / 14.0 - 0.5 * t0[:, 2:4]
    t_rb = t0[:, :2] / 14.0 + 0.5 * t0[:, 2:4]
    lt = jnp.maximum(p_lt, t_lt[:, None, :])
    rb = jnp.minimum(p_rb, t_rb[:, None, :])
    wh = jnp.maximum(rb - lt, 0.0)
    inter = wh[..., 0] * wh[..., 1]
    area1 = (p_rb[..., 0] - p_lt[..., 0]) * (p_rb[..., 1] - p_lt[..., 1])
    area2 = (t_rb[:, 0] - t_lt[:, 0]) * (t_rb[:, 1] - t_lt[:, 1])
    iou = inter / (area1 + area2[:, None] - inter)
    max_iou = jnp.max(iou, axis=1)
    max_idx = jnp.argmax(iou, axis=1)
    cells = jnp.arange(bp.shape[0])
    resp_p = bp[cells, max_idx]
    notresp_p = bp[cells, 1 - max_idx]
    resp_t = bt[cells, max_idx]
    # NOTE: original code writes box_target_iou[i+max_index, :4] = max_iou, leaving
    # column 4 (the conf target used by contain_loss) at zero -> target conf is 0.
    contain_loss = jnp.sum(jnp.where(coo, resp_p[:, 4] ** 2, 0.0))
    safe_pwh = jnp.where(coo[:, None], resp_p[:, 2:4], 1.0)
    safe_twh = jnp.where(coo[:, None], resp_t[:, 2:4], 1.0)
    loc_loss = jnp.sum(jnp.where(coo[:, None], (resp_p[:, :2] - resp_t[:, :2]) ** 2, 0.0)) + \
               jnp.sum(jnp.where(coo[:, None], (jnp.sqrt(safe_pwh) - jnp.sqrt(safe_twh)) ** 2, 0.0))
    not_contain_loss = jnp.sum(jnp.where(coo, notresp_p[:, 4] ** 2, 0.0))
    return (5.0 * loc_loss + 2.0 * contain_loss + not_contain_loss + 0.5 * noobj_loss + class_loss) / N

if __name__ == "__main__":
    import jax
    _d = setup_inputs()
    print(jax.jit(kernel)(*tuple(_d.values())))

</pallas_src>

<mosaic_0001>
#map = affine_map<(d0, d1) -> (0, 0, 0)>
#map1 = affine_map<(d0, d1) -> (0, 0)>
module attributes {stable_mosaic.version = 14 : i64} {
  func.func @_body(%arg0: i32, %arg1: i32, %arg2: memref<196x30x64xf32, #tpu.memory_space<hbm>>, %arg3: memref<196x30x64xf32, #tpu.memory_space<hbm>>, %arg4: memref<32x16xf32, #tpu.memory_space<hbm>>, %arg5: memref<7x30x64xf32, #tpu.memory_space<vmem>>, %arg6: memref<7x30x64xf32, #tpu.memory_space<vmem>>, %arg7: memref<16xf32, #tpu.memory_space<vmem>>, %arg8: memref<!tpu.dma_semaphore, #tpu.memory_space<semaphore_mem>>, %arg9: memref<!tpu.dma_semaphore, #tpu.memory_space<semaphore_mem>>, %arg10: memref<!tpu.dma_semaphore, #tpu.memory_space<semaphore_mem>>, %arg11: memref<!tpu.dma_semaphore, #tpu.memory_space<semaphore_mem>>) attributes {dimension_semantics = [#tpu.dimension_semantics<core_parallel>, #tpu.dimension_semantics<subcore_parallel>], iteration_bounds = array<i64: 2, 16>, scalar_prefetch = 0 : i64, scratch_operands = 7 : i64, tpu.core_type = #tpu.core_type<sc_vector_subcore>, window_params = [{transform_indices = #map}, {transform_indices = #map}, {transform_indices = #map1}]} {
    %mul3A = arith.constant 2 : i32
    %mul3A_0 = arith.muli %arg1, %mul3A : i32
    %add3A = arith.addi %mul3A_0, %arg0 : i32
    %mul3A_1 = arith.constant 24 : i32
    %mul3A_2 = arith.muli %add3A, %mul3A_1 : i32
    %min3A = arith.constant 16 : i32
    %min3A_3 = arith.minsi %add3A, %min3A : i32
    %add3A_4 = arith.addi %mul3A_2, %min3A_3 : i32
    %lt3A = arith.constant 16 : i32
    %lt3A_5 = arith.cmpi slt, %add3A, %lt3A : i32
    %jit3A = arith.constant 1 : i32
    %jit3A_6 = arith.constant 0 : i32
    %select_n3A = arith.select %lt3A_5, %jit3A, %jit3A_6 : i32
    %add3A_7 = arith.constant 24 : i32
    %add3A_8 = arith.addi %add3A_7, %select_n3A : i32
    %jit3A_9 = arith.constant 4 : i32
    %div3A = arith.divsi %add3A_4, %jit3A_9 : i32
    %sign3A = arith.constant 0 : i32
    %sign3A_10 = arith.cmpi sgt, %add3A_4, %sign3A : i32
    %sign3A_11 = arith.extui %sign3A_10 : i1 to i32
    %sign3A_12 = arith.constant 0 : i32
    %sign3A_13 = arith.cmpi slt, %add3A_4, %sign3A_12 : i32
    %sign3A_14 = arith.extui %sign3A_13 : i1 to i32
    %sign3A_15 = arith.subi %sign3A_11, %sign3A_14 : i32
    %sign3A_16 = arith.constant 0 : i32
    %sign3A_17 = arith.cmpi sgt, %jit3A_9, %sign3A_16 : i32
    %sign3A_18 = arith.extui %sign3A_17 : i1 to i32
    %sign3A_19 = arith.constant 0 : i32
    %sign3A_20 = arith.cmpi slt, %jit3A_9, %sign3A_19 : i32
    %sign3A_21 = arith.extui %sign3A_20 : i1 to i32
    %sign3A_22 = arith.subi %sign3A_18, %sign3A_21 : i32
    %ne3A = arith.cmpi ne, %sign3A_15, %sign3A_22 : i32
    %rem3A = arith.remsi %add3A_4, %jit3A_9 : i32
    %ne3A_23 = arith.constant 0 : i32
    %ne3A_24 = arith.cmpi ne, %rem3A, %ne3A_23 : i32
    %and3A = arith.andi %ne3A, %ne3A_24 : i1
    %sub3A = arith.constant 1 : i32
    %sub3A_25 = arith.subi %div3A, %sub3A : i32
    %select_n3A_26 = arith.select %and3A, %sub3A_25, %div3A : i32
    %min3A_27 = arith.constant 189 : i32
    %min3A_28 = arith.minsi %select_n3A_26, %min3A_27 : i32
    %dma_start3A = arith.constant 0 : i32
    %dma_start3A_29 = arith.constant 0 : i32
    %dma_start3A_30 = arith.constant 0 : i32
    %dma_start3A_31 = tpu.memref_slice %arg5[%dma_start3A, %dma_start3A_29, %dma_start3A_30] : memref<7x30x64xf32, #tpu.memory_space<vmem>> -> memref<2x30x64xf32, #tpu.memory_space<vmem>>
    %dma_start3A_32 = arith.constant 0 : i32
    %dma_start3A_33 = arith.constant 0 : i32
    %dma_start3A_34 = tpu.memref_slice %arg2[%min3A_28, %dma_start3A_32, %dma_start3A_33] : memref<196x30x64xf32, #tpu.memory_space<hbm>> -> memref<2x30x64xf32, #tpu.memory_space<hbm>>
    %dma_start3A_35 = arith.constant 0 : i32
    %dma_start3A_36 = arith.constant 0 : i32
    %dma_start3A_37 = arith.constant 0 : i32
    %dma_start3A_38 = tpu.memref_slice %arg5[%dma_start3A_35, %dma_start3A_36, %dma_start3A_37] : memref<7x30x64xf32, #tpu.memory_space<vmem>> -> memref<2x30x64xf32, #tpu.memory_space<vmem>>
    %dma_start3A_39 = arith.constant 0 : i32
    %dma_start3A_40 = arith.constant 0 : i32
    %dma_start3A_41 = tpu.memref_slice %arg2[%min3A_28, %dma_start3A_39, %dma_start3A_40] : memref<196x30x64xf32, #tpu.memory_space<hbm>> -> memref<2x30x64xf32, #tpu.memory_space<hbm>>
    tpu.enqueue_dma source(%dma_start3A_41 : memref<2x30x64xf32, #tpu.memory_space<hbm>>) target(%dma_start3A_38 : memref<2x30x64xf32, #tpu.memory_space<vmem>>) target_semaphore(%arg8 : memref<!tpu.dma_semaphore, #tpu.memory_space<semaphore_mem>>)
    %dma_start3A_42 = arith.constant 0 : i32
    %dma_start3A_43 = arith.constant 0 : i32
    %dma_start3A_44 = arith.constant 0 : i32
    %dma_start3A_45 = tpu.memref_slice %arg6[%dma_start3A_42, %dma_start3A_43, %dma_start3A_44] : memref<7x30x64xf32, #tpu.memory_space<vmem>> -> memref<2x30x64xf32, #tpu.memory_space<vmem>>
    %dma_start3A_46 = arith.constant 0 : i32
    %dma_start3A_47 = arith.constant 0 : i32
    %dma_start3A_48 = tpu.memref_slice %arg3[%min3A_28, %dma_start3A_46, %dma_start3A_47] : memref<196x30x64xf32, #tpu.memory_space<hbm>> -> memref<2x30x64xf32, #tpu.memory_space<hbm>>
    %dma_start3A_49 = arith.constant 0 : i32
    %dma_start3A_50 = arith.constant 0 : i32
    %dma_start3A_51 = arith.constant 0 : i32
    %dma_start3A_52 = tpu.memref_slice %arg6[%dma_start3A_49, %dma_start3A_50, %dma_start3A_51] : memref<7x30x64xf32, #tpu.memory_space<vmem>> -> memref<2x30x64xf32, #tpu.memory_space<vmem>>
    %dma_start3A_53 = arith.constant 0 : i32
    %dma_start3A_54 = arith.constant 0 : i32
    %dma_start3A_55 = tpu.memref_slice %arg3[%min3A_28, %dma_start3A_53, %dma_start3A_54] : memref<196x30x64xf32, #tpu.memory_space<hbm>> -> memref<2x30x64xf32, #tpu.memory_space<hbm>>
    tpu.enqueue_dma source(%dma_start3A_55 : memref<2x30x64xf32, #tpu.memory_space<hbm>>) target(%dma_start3A_52 : memref<2x30x64xf32, #tpu.memory_space<vmem>>) target_semaphore(%arg9 : memref<!tpu.dma_semaphore, #tpu.memory_space<semaphore_mem>>)
    %add3A_56 = arith.constant 2 : i32
    %add3A_57 = arith.addi %min3A_28, %add3A_56 : i32
    %dma_start3A_58 = arith.constant 2 : i32
    %dma_start3A_59 = arith.constant 0 : i32
    %dma_start3A_60 = arith.constant 0 : i32
    %dma_start3A_61 = tpu.memref_slice %arg5[%dma_start3A_58, %dma_start3A_59, %dma_start3A_60] : memref<7x30x64xf32, #tpu.memory_space<vmem>> -> memref<5x30x64xf32, #tpu.memory_space<vmem>>
    %dma_start3A_62 = arith.constant 0 : i32
    %dma_start3A_63 = arith.constant 0 : i32
    %dma_start3A_64 = tpu.memref_slice %arg2[%add3A_57, %dma_start3A_62, %dma_start3A_63] : memref<196x30x64xf32, #tpu.memory_space<hbm>> -> memref<5x30x64xf32, #tpu.memory_space<hbm>>
    %dma_start3A_65 = arith.constant 2 : i32
    %dma_start3A_66 = arith.constant 0 : i32
    %dma_start3A_67 = arith.constant 0 : i32
    %dma_start3A_68 = tpu.memref_slice %arg5[%dma_start3A_65, %dma_start3A_66, %dma_start3A_67] : memref<7x30x64xf32, #tpu.memory_space<vmem>> -> memref<5x30x64xf32, #tpu.memory_space<vmem>>
    %dma_start3A_69 = arith.constant 0 : i32
    %dma_start3A_70 = arith.constant 0 : i32
    %dma_start3A_71 = tpu.memref_slice %arg2[%add3A_57, %dma_start3A_69, %dma_start3A_70] : memref<196x30x64xf32, #tpu.memory_space<hbm>> -> memref<5x30x64xf32, #tpu.memory_space<hbm>>
    tpu.enqueue_dma source(%dma_start3A_71 : memref<5x30x64xf32, #tpu.memory_space<hbm>>) target(%dma_start3A_68 : memref<5x30x64xf32, #tpu.memory_space<vmem>>) target_semaphore(%arg10 : memref<!tpu.dma_semaphore, #tpu.memory_space<semaphore_mem>>)
    %add3A_72 = arith.constant 2 : i32
    %add3A_73 = arith.addi %min3A_28, %add3A_72 : i32
    %dma_start3A_74 = arith.constant 2 : i32
    %dma_start3A_75 = arith.constant 0 : i32
    %dma_start3A_76 = arith.constant 0 : i32
    %dma_start3A_77 = tpu.memref_slice %arg6[%dma_start3A_74, %dma_start3A_75, %dma_start3A_76] : memref<7x30x64xf32, #tpu.memory_space<vmem>> -> memref<5x30x64xf32, #tpu.memory_space<vmem>>
    %dma_start3A_78 = arith.constant 0 : i32
    %dma_start3A_79 = arith.constant 0 : i32
    %dma_start3A_80 = tpu.memref_slice %arg3[%add3A_73, %dma_start3A_78, %dma_start3A_79] : memref<196x30x64xf32, #tpu.memory_space<hbm>> -> memref<5x30x64xf32, #tpu.memory_space<hbm>>
    %dma_start3A_81 = arith.constant 2 : i32
    %dma_start3A_82 = arith.constant 0 : i32
    %dma_start3A_83 = arith.constant 0 : i32
    %dma_start3A_84 = tpu.memref_slice %arg6[%dma_start3A_81, %dma_start3A_82, %dma_start3A_83] : memref<7x30x64xf32, #tpu.memory_space<vmem>> -> memref<5x30x64xf32, #tpu.memory_space<vmem>>
    %dma_start3A_85 = arith.constant 0 : i32
    %dma_start3A_86 = arith.constant 0 : i32
    %dma_start3A_87 = tpu.memref_slice %arg3[%add3A_73, %dma_start3A_85, %dma_start3A_86] : memref<196x30x64xf32, #tpu.memory_space<hbm>> -> memref<5x30x64xf32, #tpu.memory_space<hbm>>
    tpu.enqueue_dma source(%dma_start3A_87 : memref<5x30x64xf32, #tpu.memory_space<hbm>>) target(%dma_start3A_84 : memref<5x30x64xf32, #tpu.memory_space<vmem>>) target_semaphore(%arg11 : memref<!tpu.dma_semaphore, #tpu.memory_space<semaphore_mem>>)
    %add3A_88 = arith.constant 2 : i32
    %add3A_89 = arith.addi %min3A_28, %add3A_88 : i32
    %mul3A_90 = arith.constant 4 : i32
    %mul3A_91 = arith.muli %add3A_89, %mul3A_90 : i32
    %sub3A_92 = arith.subi %mul3A_91, %add3A_4 : i32
    %broadcast_in_dim3A = arith.constant 0.000000e+00 : f32
    %broadcast_in_dim3A_93 = vector.broadcast %broadcast_in_dim3A : f32 to vector<16xf32>
    %while3A = arith.constant 0 : i32
    %while3A_94 = arith.subi %add3A_8, %while3A : i32
    %while3A_95 = arith.addi %while3A, %while3A_94 : i32
    %while3A_96 = arith.constant 1 : i32
    %while3A_97 = arith.divsi %while3A_94, %while3A_96 : i32
    %while3A_98 = arith.muli %while3A_97, %while3A_96 : i32
    %while3A_99 = arith.addi %while3A, %while3A_98 : i32
    %while3A_100 = arith.constant 1 : i32
    %while3A_101 = scf.for %while3A_107 = %while3A to %while3A_99 step %while3A_100 iter_args(%while3A_108 = %broadcast_in_dim3A_93) -> (vector<16xf32>)  : i32 {
      %eq3A = arith.constant 0 : i32
      %eq3A_109 = arith.cmpi eq, %while3A_107, %eq3A : i32
      %convert_element_type3A = arith.extui %eq3A_109 : i1 to i32
      %cond3A = arith.constant 0 : i32
      %cond3A_110 = arith.cmpi ne, %convert_element_type3A, %cond3A : i32
      scf.if %cond3A_110 {
        %dma_wait3A = arith.constant 0 : i32
        %dma_wait3A_807 = arith.constant 0 : i32
        %dma_wait3A_808 = arith.constant 0 : i32
        %dma_wait3A_809 = tpu.memref_slice %arg5[%dma_wait3A, %dma_wait3A_807, %dma_wait3A_808] : memref<7x30x64xf32, #tpu.memory_space<vmem>> -> memref<2x30x64xf32, #tpu.memory_space<vmem>>
        %dma_wait3A_810 = arith.constant 0 : i32
        %dma_wait3A_811 = arith.constant 0 : i32
        %dma_wait3A_812 = tpu.memref_slice %arg2[%min3A_28, %dma_wait3A_810, %dma_wait3A_811] : memref<196x30x64xf32, #tpu.memory_space<hbm>> -> memref<2x30x64xf32, #tpu.memory_space<hbm>>
        %dma_wait3A_813 = arith.constant 0 : i32
        %dma_wait3A_814 = arith.constant 0 : i32
        %dma_wait3A_815 = arith.constant 0 : i32
        %dma_wait3A_816 = tpu.memref_slice %arg5[%dma_wait3A_813, %dma_wait3A_814, %dma_wait3A_815] : memref<7x30x64xf32, #tpu.memory_space<vmem>> -> memref<2x30x64xf32, #tpu.memory_space<vmem>>
        %dma_wait3A_817 = arith.constant 0 : i32
        %dma_wait3A_818 = arith.constant 0 : i32
        %dma_wait3A_819 = tpu.memref_slice %arg2[%min3A_28, %dma_wait3A_817, %dma_wait3A_818] : memref<196x30x64xf32, #tpu.memory_space<hbm>> -> memref<2x30x64xf32, #tpu.memory_space<hbm>>
        tpu.wait_dma2 semaphore(%arg8 : memref<!tpu.dma_semaphore, #tpu.memory_space<semaphore_mem>>) src(%dma_wait3A_819 : memref<2x30x64xf32, #tpu.memory_space<hbm>>) dst(%dma_wait3A_816 : memref<2x30x64xf32, #tpu.memory_space<vmem>>)
        %dma_wait3A_820 = arith.constant 0 : i32
        %dma_wait3A_821 = arith.constant 0 : i32
        %dma_wait3A_822 = arith.constant 0 : i32
        %dma_wait3A_823 = tpu.memref_slice %arg6[%dma_wait3A_820, %dma_wait3A_821, %dma_wait3A_822] : memref<7x30x64xf32, #tpu.memory_space<vmem>> -> memref<2x30x64xf32, #tpu.memory_space<vmem>>
        %dma_wait3A_824 = arith.constant 0 : i32
        %dma_wait3A_825 = arith.constant 0 : i32
        %dma_wait3A_826 = tpu.memref_slice %arg3[%min3A_28, %dma_wait3A_824, %dma_wait3A_825] : memref<196x30x64xf32, #tpu.memory_space<hbm>> -> memref<2x30x64xf32, #tpu.memory_space<hbm>>
        %dma_wait3A_827 = arith.constant 0 : i32
        %dma_wait3A_828 = arith.constant 0 : i32
        %dma_wait3A_829 = arith.constant 0 : i32
        %dma_wait3A_830 = tpu.memref_slice %arg6[%dma_wait3A_827, %dma_wait3A_828, %dma_wait3A_829] : memref<7x30x64xf32, #tpu.memory_space<vmem>> -> memref<2x30x64xf32, #tpu.memory_space<vmem>>
        %dma_wait3A_831 = arith.constant 0 : i32
        %dma_wait3A_832 = arith.constant 0 : i32
        %dma_wait3A_833 = tpu.memref_slice %arg3[%min3A_28, %dma_wait3A_831, %dma_wait3A_832] : memref<196x30x64xf32, #tpu.memory_space<hbm>> -> memref<2x30x64xf32, #tpu.memory_space<hbm>>
        tpu.wait_dma2 semaphore(%arg9 : memref<!tpu.dma_semaphore, #tpu.memory_space<semaphore_mem>>) src(%dma_wait3A_833 : memref<2x30x64xf32, #tpu.memory_space<hbm>>) dst(%dma_wait3A_830 : memref<2x30x64xf32, #tpu.memory_space<vmem>>)
      } else {
      }
      %eq3A_111 = arith.cmpi eq, %while3A_107, %sub3A_92 : i32
      %convert_element_type3A_112 = arith.extui %eq3A_111 : i1 to i32
      %cond3A_113 = arith.constant 0 : i32
      %cond3A_114 = arith.cmpi ne, %convert_element_type3A_112, %cond3A_113 : i32
      scf.if %cond3A_114 {
        %dma_wait3A = arith.constant 2 : i32
        %dma_wait3A_807 = arith.constant 0 : i32
        %dma_wait3A_808 = arith.constant 0 : i32
        %dma_wait3A_809 = tpu.memref_slice %arg5[%dma_wait3A, %dma_wait3A_807, %dma_wait3A_808] : memref<7x30x64xf32, #tpu.memory_space<vmem>> -> memref<5x30x64xf32, #tpu.memory_space<vmem>>
        %dma_wait3A_810 = arith.constant 0 : i32
        %dma_wait3A_811 = arith.constant 0 : i32
        %dma_wait3A_812 = tpu.memref_slice %arg2[%add3A_57, %dma_wait3A_810, %dma_wait3A_811] : memref<196x30x64xf32, #tpu.memory_space<hbm>> -> memref<5x30x64xf32, #tpu.memory_space<hbm>>
        %dma_wait3A_813 = arith.constant 2 : i32
        %dma_wait3A_814 = arith.constant 0 : i32
        %dma_wait3A_815 = arith.constant 0 : i32
        %dma_wait3A_816 = tpu.memref_slice %arg5[%dma_wait3A_813, %dma_wait3A_814, %dma_wait3A_815] : memref<7x30x64xf32, #tpu.memory_space<vmem>> -> memref<5x30x64xf32, #tpu.memory_space<vmem>>
        %dma_wait3A_817 = arith.constant 0 : i32
        %dma_wait3A_818 = arith.constant 0 : i32
        %dma_wait3A_819 = tpu.memref_slice %arg2[%add3A_57, %dma_wait3A_817, %dma_wait3A_818] : memref<196x30x64xf32, #tpu.memory_space<hbm>> -> memref<5x30x64xf32, #tpu.memory_space<hbm>>
        tpu.wait_dma2 semaphore(%arg10 : memref<!tpu.dma_semaphore, #tpu.memory_space<semaphore_mem>>) src(%dma_wait3A_819 : memref<5x30x64xf32, #tpu.memory_space<hbm>>) dst(%dma_wait3A_816 : memref<5x30x64xf32, #tpu.memory_space<vmem>>)
        %dma_wait3A_820 = arith.constant 2 : i32
        %dma_wait3A_821 = arith.constant 0 : i32
        %dma_wait3A_822 = arith.constant 0 : i32
        %dma_wait3A_823 = tpu.memref_slice %arg6[%dma_wait3A_820, %dma_wait3A_821, %dma_wait3A_822] : memref<7x30x64xf32, #tpu.memory_space<vmem>> -> memref<5x30x64xf32, #tpu.memory_space<vmem>>
        %dma_wait3A_824 = arith.constant 0 : i32
        %dma_wait3A_825 = arith.constant 0 : i32
        %dma_wait3A_826 = tpu.memref_slice %arg3[%add3A_73, %dma_wait3A_824, %dma_wait3A_825] : memref<196x30x64xf32, #tpu.memory_space<hbm>> -> memref<5x30x64xf32, #tpu.memory_space<hbm>>
        %dma_wait3A_827 = arith.constant 2 : i32
        %dma_wait3A_828 = arith.constant 0 : i32
        %dma_wait3A_829 = arith.constant 0 : i32
        %dma_wait3A_830 = tpu.memref_slice %arg6[%dma_wait3A_827, %dma_wait3A_828, %dma_wait3A_829] : memref<7x30x64xf32, #tpu.memory_space<vmem>> -> memref<5x30x64xf32, #tpu.memory_space<vmem>>
        %dma_wait3A_831 = arith.constant 0 : i32
        %dma_wait3A_832 = arith.constant 0 : i32
        %dma_wait3A_833 = tpu.memref_slice %arg3[%add3A_73, %dma_wait3A_831, %dma_wait3A_832] : memref<196x30x64xf32, #tpu.memory_space<hbm>> -> memref<5x30x64xf32, #tpu.memory_space<hbm>>
        tpu.wait_dma2 semaphore(%arg11 : memref<!tpu.dma_semaphore, #tpu.memory_space<semaphore_mem>>) src(%dma_wait3A_833 : memref<5x30x64xf32, #tpu.memory_space<hbm>>) dst(%dma_wait3A_830 : memref<5x30x64xf32, #tpu.memory_space<vmem>>)
      } else {
      }
      %add3A_115 = arith.addi %add3A_4, %while3A_107 : i32
      %jit3A_116 = arith.constant 4 : i32
      %div3A_117 = arith.divsi %add3A_115, %jit3A_116 : i32
      %sign3A_118 = arith.constant 0 : i32
      %sign3A_119 = arith.cmpi sgt, %add3A_115, %sign3A_118 : i32
      %sign3A_120 = arith.extui %sign3A_119 : i1 to i32
      %sign3A_121 = arith.constant 0 : i32
      %sign3A_122 = arith.cmpi slt, %add3A_115, %sign3A_121 : i32
      %sign3A_123 = arith.extui %sign3A_122 : i1 to i32
      %sign3A_124 = arith.subi %sign3A_120, %sign3A_123 : i32
      %sign3A_125 = arith.constant 0 : i32
      %sign3A_126 = arith.cmpi sgt, %jit3A_116, %sign3A_125 : i32
      %sign3A_127 = arith.extui %sign3A_126 : i1 to i32
      %sign3A_128 = arith.constant 0 : i32
      %sign3A_129 = arith.cmpi slt, %jit3A_116, %sign3A_128 : i32
      %sign3A_130 = arith.extui %sign3A_129 : i1 to i32
      %sign3A_131 = arith.subi %sign3A_127, %sign3A_130 : i32
      %ne3A_132 = arith.cmpi ne, %sign3A_124, %sign3A_131 : i32
      %rem3A_133 = arith.remsi %add3A_115, %jit3A_116 : i32
      %ne3A_134 = arith.constant 0 : i32
      %ne3A_135 = arith.cmpi ne, %rem3A_133, %ne3A_134 : i32
      %and3A_136 = arith.andi %ne3A_132, %ne3A_135 : i1
      %sub3A_137 = arith.constant 1 : i32
      %sub3A_138 = arith.subi %div3A_117, %sub3A_137 : i32
      %select_n3A_139 = arith.select %and3A_136, %sub3A_138, %div3A_117 : i32
      %mul3A_140 = arith.constant 4 : i32
      %mul3A_141 = arith.muli %select_n3A_139, %mul3A_140 : i32
      %sub3A_142 = arith.subi %add3A_115, %mul3A_141 : i32
      %mul3A_143 = arith.constant 16 : i32
      %mul3A_144 = arith.muli %sub3A_142, %mul3A_143 : i32
      %sub3A_145 = arith.subi %select_n3A_139, %min3A_28 : i32
      %get3A = arith.constant 4 : i32
      %get3A_146 = arith.index_cast %sub3A_145 : i32 to index
      %get3A_147 = arith.index_cast %get3A : i32 to index
      %get3A_148 = arith.index_cast %mul3A_144 : i32 to index
      %get3A_149 = tpu.vector_load %arg6[%get3A_146, %get3A_147, %get3A_148] {strides = array<i32>} : memref<7x30x64xf32, #tpu.memory_space<vmem>>, vector<1x1x16xf32>,
      %get3A_150 = vector.shape_cast %get3A_149 : vector<1x1x16xf32> to vector<16xf32>
      %gt3A = arith.constant 0.000000e+00 : f32
      %gt3A_151 = vector.broadcast %gt3A : f32 to vector<16xf32>
      %gt3A_152 = arith.cmpf ogt, %get3A_150, %gt3A_151 : vector<16xf32>
      %eq3A_153 = arith.constant 0.000000e+00 : f32
      %eq3A_154 = vector.broadcast %eq3A_153 : f32 to vector<16xf32>
      %eq3A_155 = arith.cmpf oeq, %get3A_150, %eq3A_154 : vector<16xf32>
      %get3A_156 = arith.constant 4 : i32
      %get3A_157 = arith.index_cast %sub3A_145 : i32 to index
      %get3A_158 = arith.index_cast %get3A_156 : i32 to index
      %get3A_159 = arith.index_cast %mul3A_144 : i32 to index
      %get3A_160 = tpu.vector_load %arg5[%get3A_157, %get3A_158, %get3A_159] {strides = array<i32>} : memref<7x30x64xf32, #tpu.memory_space<vmem>>, vector<1x1x16xf32>,
      %get3A_161 = vector.shape_cast %get3A_160 : vector<1x1x16xf32> to vector<16xf32>
      %get3A_162 = arith.constant 9 : i32
      %get3A_163 = arith.index_cast %sub3A_145 : i32 to index
      %get3A_164 = arith.index_cast %get3A_162 : i32 to index
      %get3A_165 = arith.index_cast %mul3A_144 : i32 to index
      %get3A_166 = tpu.vector_load %arg5[%get3A_163, %get3A_164, %get3A_165] {strides = array<i32>} : memref<7x30x64xf32, #tpu.memory_space<vmem>>, vector<1x1x16xf32>,
      %get3A_167 = vector.shape_cast %get3A_166 : vector<1x1x16xf32> to vector<16xf32>
      %get3A_168 = arith.constant 9 : i32
      %get3A_169 = arith.index_cast %sub3A_145 : i32 to index
      %get3A_170 = arith.index_cast %get3A_168 : i32 to index
      %get3A_171 = arith.index_cast %mul3A_144 : i32 to index
      %get3A_172 = tpu.vector_load %arg6[%get3A_169, %get3A_170, %get3A_171] {strides = array<i32>} : memref<7x30x64xf32, #tpu.memory_space<vmem>>, vector<1x1x16xf32>,
      %get3A_173 = vector.shape_cast %get3A_172 : vector<1x1x16xf32> to vector<16xf32>
      %sub3A_174 = arith.subf %get3A_161, %get3A_150 : vector<16xf32>
      %sub3A_175 = arith.subf %get3A_167, %get3A_173 : vector<16xf32>
      %mul3A_176 = arith.mulf %sub3A_174, %sub3A_174 : vector<16xf32>
      %mul3A_177 = arith.mulf %sub3A_175, %sub3A_175 : vector<16xf32>
      %add3A_178 = arith.addf %mul3A_176, %mul3A_177 : vector<16xf32>
      %get3A_179 = arith.constant 10 : i32
      %get3A_180 = arith.index_cast %sub3A_145 : i32 to index
      %get3A_181 = arith.index_cast %get3A_179 : i32 to index
      %get3A_182 = arith.index_cast %mul3A_144 : i32 to index
      %get3A_183 = tpu.vector_load %arg5[%get3A_180, %get3A_181, %get3A_182] {strides = array<i32>} : memref<7x30x64xf32, #tpu.memory_space<vmem>>, vector<1x1x16xf32>,
      %get3A_184 = vector.shape_cast %get3A_183 : vector<1x1x16xf32> to vector<16xf32>
      %get3A_185 = arith.constant 10 : i32
      %get3A_186 = arith.index_cast %sub3A_145 : i32 to index
      %get3A_187 = arith.index_cast %get3A_185 : i32 to index
      %get3A_188 = arith.index_cast %mul3A_144 : i32 to index
      %get3A_189 = tpu.vector_load %arg6[%get3A_186, %get3A_187, %get3A_188] {strides = array<i32>} : memref<7x30x64xf32, #tpu.memory_space<vmem>>, vector<1x1x16xf32>,
      %get3A_190 = vector.shape_cast %get3A_189 : vector<1x1x16xf32> to vector<16xf32>
      %sub3A_191 = arith.subf %get3A_184, %get3A_190 : vector<16xf32>
      %mul3A_192 = arith.mulf %sub3A_191, %sub3A_191 : vector<16xf32>
      %get3A_193 = arith.constant 11 : i32
      %get3A_194 = arith.index_cast %sub3A_145 : i32 to index
      %get3A_195 = arith.index_cast %get3A_193 : i32 to index
      %get3A_196 = arith.index_cast %mul3A_144 : i32 to index
      %get3A_197 = tpu.vector_load %arg5[%get3A_194, %get3A_195, %get3A_196] {strides = array<i32>} : memref<7x30x64xf32, #tpu.memory_space<vmem>>, vector<1x1x16xf32>,
      %get3A_198 = vector.shape_cast %get3A_197 : vector<1x1x16xf32> to vector<16xf32>
      %get3A_199 = arith.constant 11 : i32
      %get3A_200 = arith.index_cast %sub3A_145 : i32 to index
      %get3A_201 = arith.index_cast %get3A_199 : i32 to index
      %get3A_202 = arith.index_cast %mul3A_144 : i32 to index
      %get3A_203 = tpu.vector_load %arg6[%get3A_200, %get3A_201, %get3A_202] {strides = array<i32>} : memref<7x30x64xf32, #tpu.memory_space<vmem>>, vector<1x1x16xf32>,
      %get3A_204 = vector.shape_cast %get3A_203 : vector<1x1x16xf32> to vector<16xf32>
      %sub3A_205 = arith.subf %get3A_198, %get3A_204 : vector<16xf32>
      %mul3A_206 = arith.mulf %sub3A_205, %sub3A_205 : vector<16xf32>
      %add3A_207 = arith.addf %mul3A_192, %mul3A_206 : vector<16xf32>
      %get3A_208 = arith.constant 12 : i32
      %get3A_209 = arith.index_cast %sub3A_145 : i32 to index
      %get3A_210 = arith.index_cast %get3A_208 : i32 to index
      %get3A_211 = arith.index_cast %mul3A_144 : i32 to index
      %get3A_212 = tpu.vector_load %arg5[%get3A_209, %get3A_210, %get3A_211] {strides = array<i32>} : memref<7x30x64xf32, #tpu.memory_space<vmem>>, vector<1x1x16xf32>,
      %get3A_213 = vector.shape_cast %get3A_212 : vector<1x1x16xf32> to vector<16xf32>
      %get3A_214 = arith.constant 12 : i32
      %get3A_215 = arith.index_cast %sub3A_145 : i32 to index
      %get3A_216 = arith.index_cast %get3A_214 : i32 to index
      %get3A_217 = arith.index_cast %mul3A_144 : i32 to index
      %get3A_218 = tpu.vector_load %arg6[%get3A_215, %get3A_216, %get3A_217] {strides = array<i32>} : memref<7x30x64xf32, #tpu.memory_space<vmem>>, vector<1x1x16xf32>,
      %get3A_219 = vector.shape_cast %get3A_218 : vector<1x1x16xf32> to vector<16xf32>
      %sub3A_220 = arith.subf %get3A_213, %get3A_219 : vector<16xf32>
      %mul3A_221 = arith.mulf %sub3A_220, %sub3A_220 : vector<16xf32>
      %add3A_222 = arith.addf %add3A_207, %mul3A_221 : vector<16xf32>
      %get3A_223 = arith.constant 13 : i32
      %get3A_224 = arith.index_cast %sub3A_145 : i32 to index
      %get3A_225 = arith.index_cast %get3A_223 : i32 to index
      %get3A_226 = arith.index_cast %mul3A_144 : i32 to index
      %get3A_227 = tpu.vector_load %arg5[%get3A_224, %get3A_225, %get3A_226] {strides = array<i32>} : memref<7x30x64xf32, #tpu.memory_space<vmem>>, vector<1x1x16xf32>,
      %get3A_228 = vector.shape_cast %get3A_227 : vector<1x1x16xf32> to vector<16xf32>
      %get3A_229 = arith.constant 13 : i32
      %get3A_230 = arith.index_cast %sub3A_145 : i32 to index
      %get3A_231 = arith.index_cast %get3A_229 : i32 to index
      %get3A_232 = arith.index_cast %mul3A_144 : i32 to index
      %get3A_233 = tpu.vector_load %arg6[%get3A_230, %get3A_231, %get3A_232] {strides = array<i32>} : memref<7x30x64xf32, #tpu.memory_space<vmem>>, vector<1x1x16xf32>,
      %get3A_234 = vector.shape_cast %get3A_233 : vector<1x1x16xf32> to vector<16xf32>
      %sub3A_235 = arith.subf %get3A_228, %get3A_234 : vector<16xf32>
      %mul3A_236 = arith.mulf %sub3A_235, %sub3A_235 : vector<16xf32>
      %add3A_237 = arith.addf %add3A_222, %mul3A_236 : vector<16xf32>
      %get3A_238 = arith.constant 14 : i32
      %get3A_239 = arith.index_cast %sub3A_145 : i32 to index
      %get3A_240 = arith.index_cast %get3A_238 : i32 to index
      %get3A_241 = arith.index_cast %mul3A_144 : i32 to index
      %get3A_242 = tpu.vector_load %arg5[%get3A_239, %get3A_240, %get3A_241] {strides = array<i32>} : memref<7x30x64xf32, #tpu.memory_space<vmem>>, vector<1x1x16xf32>,
      %get3A_243 = vector.shape_cast %get3A_242 : vector<1x1x16xf32> to vector<16xf32>
      %get3A_244 = arith.constant 14 : i32
      %get3A_245 = arith.index_cast %sub3A_145 : i32 to index
      %get3A_246 = arith.index_cast %get3A_244 : i32 to index
      %get3A_247 = arith.index_cast %mul3A_144 : i32 to index
      %get3A_248 = tpu.vector_load %arg6[%get3A_245, %get3A_246, %get3A_247] {strides = array<i32>} : memref<7x30x64xf32, #tpu.memory_space<vmem>>, vector<1x1x16xf32>,
      %get3A_249 = vector.shape_cast %get3A_248 : vector<1x1x16xf32> to vector<16xf32>
      %sub3A_250 = arith.subf %get3A_243, %get3A_249 : vector<16xf32>
      %mul3A_251 = arith.mulf %sub3A_250, %sub3A_250 : vector<16xf32>
      %add3A_252 = arith.addf %add3A_237, %mul3A_251 : vector<16xf32>
      %get3A_253 = arith.constant 15 : i32
      %get3A_254 = arith.index_cast %sub3A_145 : i32 to index
      %get3A_255 = arith.index_cast %get3A_253 : i32 to index
      %get3A_256 = arith.index_cast %mul3A_144 : i32 to index
      %get3A_257 = tpu.vector_load %arg5[%get3A_254, %get3A_255, %get3A_256] {strides = array<i32>} : memref<7x30x64xf32, #tpu.memory_space<vmem>>, vector<1x1x16xf32>,
      %get3A_258 = vector.shape_cast %get3A_257 : vector<1x1x16xf32> to vector<16xf32>
      %get3A_259 = arith.constant 15 : i32
      %get3A_260 = arith.index_cast %sub3A_145 : i32 to index
      %get3A_261 = arith.index_cast %get3A_259 : i32 to index
      %get3A_262 = arith.index_cast %mul3A_144 : i32 to index
      %get3A_263 = tpu.vector_load %arg6[%get3A_260, %get3A_261, %get3A_262] {strides = array<i32>} : memref<7x30x64xf32, #tpu.memory_space<vmem>>, vector<1x1x16xf32>,
      %get3A_264 = vector.shape_cast %get3A_263 : vector<1x1x16xf32> to vector<16xf32>
      %sub3A_265 = arith.subf %get3A_258, %get3A_264 : vector<16xf32>
      %mul3A_266 = arith.mulf %sub3A_265, %sub3A_265 : vector<16xf32>
      %add3A_267 = arith.addf %add3A_252, %mul3A_266 : vector<16xf32>
      %get3A_268 = arith.constant 16 : i32
      %get3A_269 = arith.index_cast %sub3A_145 : i32 to index
      %get3A_270 = arith.index_cast %get3A_268 : i32 to index
      %get3A_271 = arith.index_cast %mul3A_144 : i32 to index
      %get3A_272 = tpu.vector_load %arg5[%get3A_269, %get3A_270, %get3A_271] {strides = array<i32>} : memref<7x30x64xf32, #tpu.memory_space<vmem>>, vector<1x1x16xf32>,
      %get3A_273 = vector.shape_cast %get3A_272 : vector<1x1x16xf32> to vector<16xf32>
      %get3A_274 = arith.constant 16 : i32
      %get3A_275 = arith.index_cast %sub3A_145 : i32 to index
      %get3A_276 = arith.index_cast %get3A_274 : i32 to index
      %get3A_277 = arith.index_cast %mul3A_144 : i32 to index
      %get3A_278 = tpu.vector_load %arg6[%get3A_275, %get3A_276, %get3A_277] {strides = array<i32>} : memref<7x30x64xf32, #tpu.memory_space<vmem>>, vector<1x1x16xf32>,
      %get3A_279 = vector.shape_cast %get3A_278 : vector<1x1x16xf32> to vector<16xf32>
      %sub3A_280 = arith.subf %get3A_273, %get3A_279 : vector<16xf32>
      %mul3A_281 = arith.mulf %sub3A_280, %sub3A_280 : vector<16xf32>
      %add3A_282 = arith.addf %add3A_267, %mul3A_281 : vector<16xf32>
      %get3A_283 = arith.constant 17 : i32
      %get3A_284 = arith.index_cast %sub3A_145 : i32 to index
      %get3A_285 = arith.index_cast %get3A_283 : i32 to index
      %get3A_286 = arith.index_cast %mul3A_144 : i32 to index
      %get3A_287 = tpu.vector_load %arg5[%get3A_284, %get3A_285, %get3A_286] {strides = array<i32>} : memref<7x30x64xf32, #tpu.memory_space<vmem>>, vector<1x1x16xf32>,
      %get3A_288 = vector.shape_cast %get3A_287 : vector<1x1x16xf32> to vector<16xf32>
      %get3A_289 = arith.constant 17 : i32
      %get3A_290 = arith.index_cast %sub3A_145 : i32 to index
      %get3A_291 = arith.index_cast %get3A_289 : i32 to index
      %get3A_292 = arith.index_cast %mul3A_144 : i32 to index
      %get3A_293 = tpu.vector_load %arg6[%get3A_290, %get3A_291, %get3A_292] {strides = array<i32>} : memref<7x30x64xf32, #tpu.memory_space<vmem>>, vector<1x1x16xf32>,
      %get3A_294 = vector.shape_cast %get3A_293 : vector<1x1x16xf32> to vector<16xf32>
      %sub3A_295 = arith.subf %get3A_288, %get3A_294 : vector<16xf32>
      %mul3A_296 = arith.mulf %sub3A_295, %sub3A_295 : vector<16xf32>
      %add3A_297 = arith.addf %add3A_282, %mul3A_296 : vector<16xf32>
      %get3A_298 = arith.constant 18 : i32
      %get3A_299 = arith.index_cast %sub3A_145 : i32 to index
      %get3A_300 = arith.index_cast %get3A_298 : i32 to index
      %get3A_301 = arith.index_cast %mul3A_144 : i32 to index
      %get3A_302 = tpu.vector_load %arg5[%get3A_299, %get3A_300, %get3A_301] {strides = array<i32>} : memref<7x30x64xf32, #tpu.memory_space<vmem>>, vector<1x1x16xf32>,
      %get3A_303 = vector.shape_cast %get3A_302 : vector<1x1x16xf32> to vector<16xf32>
      %get3A_304 = arith.constant 18 : i32
      %get3A_305 = arith.index_cast %sub3A_145 : i32 to index
      %get3A_306 = arith.index_cast %get3A_304 : i32 to index
      %get3A_307 = arith.index_cast %mul3A_144 : i32 to index
      %get3A_308 = tpu.vector_load %arg6[%get3A_305, %get3A_306, %get3A_307] {strides = array<i32>} : memref<7x30x64xf32, #tpu.memory_space<vmem>>, vector<1x1x16xf32>,
      %get3A_309 = vector.shape_cast %get3A_308 : vector<1x1x16xf32> to vector<16xf32>
      %sub3A_310 = arith.subf %get3A_303, %get3A_309 : vector<16xf32>
      %mul3A_311 = arith.mulf %sub3A_310, %sub3A_310 : vector<16xf32>
      %add3A_312 = arith.addf %add3A_297, %mul3A_311 : vector<16xf32>
      %get3A_313 = arith.constant 19 : i32
      %get3A_314 = arith.index_cast %sub3A_145 : i32 to index
      %get3A_315 = arith.index_cast %get3A_313 : i32 to index
      %get3A_316 = arith.index_cast %mul3A_144 : i32 to index
      %get3A_317 = tpu.vector_load %arg5[%get3A_314, %get3A_315, %get3A_316] {strides = array<i32>} : memref<7x30x64xf32, #tpu.memory_space<vmem>>, vector<1x1x16xf32>,
      %get3A_318 = vector.shape_cast %get3A_317 : vector<1x1x16xf32> to vector<16xf32>
      %get3A_319 = arith.constant 19 : i32
      %get3A_320 = arith.index_cast %sub3A_145 : i32 to index
      %get3A_321 = arith.index_cast %get3A_319 : i32 to index
      %get3A_322 = arith.index_cast %mul3A_144 : i32 to index
      %get3A_323 = tpu.vector_load %arg6[%get3A_320, %get3A_321, %get3A_322] {strides = array<i32>} : memref<7x30x64xf32, #tpu.memory_space<vmem>>, vector<1x1x16xf32>,
      %get3A_324 = vector.shape_cast %get3A_323 : vector<1x1x16xf32> to vector<16xf32>
      %sub3A_325 = arith.subf %get3A_318, %get3A_324 : vector<16xf32>
      %mul3A_326 = arith.mulf %sub3A_325, %sub3A_325 : vector<16xf32>
      %add3A_327 = arith.addf %add3A_312, %mul3A_326 : vector<16xf32>
      %get3A_328 = arith.constant 20 : i32
      %get3A_329 = arith.index_cast %sub3A_145 : i32 to index
      %get3A_330 = arith.index_cast %get3A_328 : i32 to index
      %get3A_331 = arith.index_cast %mul3A_144 : i32 to index
      %get3A_332 = tpu.vector_load %arg5[%get3A_329, %get3A_330, %get3A_331] {strides = array<i32>} : memref<7x30x64xf32, #tpu.memory_space<vmem>>, vector<1x1x16xf32>,
      %get3A_333 = vector.shape_cast %get3A_332 : vector<1x1x16xf32> to vector<16xf32>
      %get3A_334 = arith.constant 20 : i32
      %get3A_335 = arith.index_cast %sub3A_145 : i32 to index
      %get3A_336 = arith.index_cast %get3A_334 : i32 to index
      %get3A_337 = arith.index_cast %mul3A_144 : i32 to index
      %get3A_338 = tpu.vector_load %arg6[%get3A_335, %get3A_336, %get3A_337] {strides = array<i32>} : memref<7x30x64xf32, #tpu.memory_space<vmem>>, vector<1x1x16xf32>,
      %get3A_339 = vector.shape_cast %get3A_338 : vector<1x1x16xf32> to vector<16xf32>
      %sub3A_340 = arith.subf %get3A_333, %get3A_339 : vector<16xf32>
      %mul3A_341 = arith.mulf %sub3A_340, %sub3A_340 : vector<16xf32>
      %add3A_342 = arith.addf %add3A_327, %mul3A_341 : vector<16xf32>
      %get3A_343 = arith.constant 21 : i32
      %get3A_344 = arith.index_cast %sub3A_145 : i32 to index
      %get3A_345 = arith.index_cast %get3A_343 : i32 to index
      %get3A_346 = arith.index_cast %mul3A_144 : i32 to index
      %get3A_347 = tpu.vector_load %arg5[%get3A_344, %get3A_345, %get3A_346] {strides = array<i32>} : memref<7x30x64xf32, #tpu.memory_space<vmem>>, vector<1x1x16xf32>,
      %get3A_348 = vector.shape_cast %get3A_347 : vector<1x1x16xf32> to vector<16xf32>
      %get3A_349 = arith.constant 21 : i32
      %get3A_350 = arith.index_cast %sub3A_145 : i32 to index
      %get3A_351 = arith.index_cast %get3A_349 : i32 to index
      %get3A_352 = arith.index_cast %mul3A_144 : i32 to index
      %get3A_353 = tpu.vector_load %arg6[%get3A_350, %get3A_351, %get3A_352] {strides = array<i32>} : memref<7x30x64xf32, #tpu.memory_space<vmem>>, vector<1x1x16xf32>,
      %get3A_354 = vector.shape_cast %get3A_353 : vector<1x1x16xf32> to vector<16xf32>
      %sub3A_355 = arith.subf %get3A_348, %get3A_354 : vector<16xf32>
      %mul3A_356 = arith.mulf %sub3A_355, %sub3A_355 : vector<16xf32>
      %add3A_357 = arith.addf %add3A_342, %mul3A_356 : vector<16xf32>
      %get3A_358 = arith.constant 22 : i32
      %get3A_359 = arith.index_cast %sub3A_145 : i32 to index
      %get3A_360 = arith.index_cast %get3A_358 : i32 to index
      %get3A_361 = arith.index_cast %mul3A_144 : i32 to index
      %get3A_362 = tpu.vector_load %arg5[%get3A_359, %get3A_360, %get3A_361] {strides = array<i32>} : memref<7x30x64xf32, #tpu.memory_space<vmem>>, vector<1x1x16xf32>,
      %get3A_363 = vector.shape_cast %get3A_362 : vector<1x1x16xf32> to vector<16xf32>
      %get3A_364 = arith.constant 22 : i32
      %get3A_365 = arith.index_cast %sub3A_145 : i32 to index
      %get3A_366 = arith.index_cast %get3A_364 : i32 to index
      %get3A_367 = arith.index_cast %mul3A_144 : i32 to index
      %get3A_368 = tpu.vector_load %arg6[%get3A_365, %get3A_366, %get3A_367] {strides = array<i32>} : memref<7x30x64xf32, #tpu.memory_space<vmem>>, vector<1x1x16xf32>,
      %get3A_369 = vector.shape_cast %get3A_368 : vector<1x1x16xf32> to vector<16xf32>
      %sub3A_370 = arith.subf %get3A_363, %get3A_369 : vector<16xf32>
      %mul3A_371 = arith.mulf %sub3A_370, %sub3A_370 : vector<16xf32>
      %add3A_372 = arith.addf %add3A_357, %mul3A_371 : vector<16xf32>
      %get3A_373 = arith.constant 23 : i32
      %get3A_374 = arith.index_cast %sub3A_145 : i32 to index
      %get3A_375 = arith.index_cast %get3A_373 : i32 to index
      %get3A_376 = arith.index_cast %mul3A_144 : i32 to index
      %get3A_377 = tpu.vector_load %arg5[%get3A_374, %get3A_375, %get3A_376] {strides = array<i32>} : memref<7x30x64xf32, #tpu.memory_space<vmem>>, vector<1x1x16xf32>,
      %get3A_378 = vector.shape_cast %get3A_377 : vector<1x1x16xf32> to vector<16xf32>
      %get3A_379 = arith.constant 23 : i32
      %get3A_380 = arith.index_cast %sub3A_145 : i32 to index
      %get3A_381 = arith.index_cast %get3A_379 : i32 to index
      %get3A_382 = arith.index_cast %mul3A_144 : i32 to index
      %get3A_383 = tpu.vector_load %arg6[%get3A_380, %get3A_381, %get3A_382] {strides = array<i32>} : memref<7x30x64xf32, #tpu.memory_space<vmem>>, vector<1x1x16xf32>,
      %get3A_384 = vector.shape_cast %get3A_383 : vector<1x1x16xf32> to vector<16xf32>
      %sub3A_385 = arith.subf %get3A_378, %get3A_384 : vector<16xf32>
      %mul3A_386 = arith.mulf %sub3A_385, %sub3A_385 : vector<16xf32>
      %add3A_387 = arith.addf %add3A_372, %mul3A_386 : vector<16xf32>
      %get3A_388 = arith.constant 24 : i32
      %get3A_389 = arith.index_cast %sub3A_145 : i32 to index
      %get3A_390 = arith.index_cast %get3A_388 : i32 to index
      %get3A_391 = arith.index_cast %mul3A_144 : i32 to index
      %get3A_392 = tpu.vector_load %arg5[%get3A_389, %get3A_390, %get3A_391] {strides = array<i32>} : memref<7x30x64xf32, #tpu.memory_space<vmem>>, vector<1x1x16xf32>,
      %get3A_393 = vector.shape_cast %get3A_392 : vector<1x1x16xf32> to vector<16xf32>
      %get3A_394 = arith.constant 24 : i32
      %get3A_395 = arith.index_cast %sub3A_145 : i32 to index
      %get3A_396 = arith.index_cast %get3A_394 : i32 to index
      %get3A_397 = arith.index_cast %mul3A_144 : i32 to index
      %get3A_398 = tpu.vector_load %arg6[%get3A_395, %get3A_396, %get3A_397] {strides = array<i32>} : memref<7x30x64xf32, #tpu.memory_space<vmem>>, vector<1x1x16xf32>,
      %get3A_399 = vector.shape_cast %get3A_398 : vector<1x1x16xf32> to vector<16xf32>
      %sub3A_400 = arith.subf %get3A_393, %get3A_399 : vector<16xf32>
      %mul3A_401 = arith.mulf %sub3A_400, %sub3A_400 : vector<16xf32>
      %add3A_402 = arith.addf %add3A_387, %mul3A_401 : vector<16xf32>
      %get3A_403 = arith.constant 25 : i32
      %get3A_404 = arith.index_cast %sub3A_145 : i32 to index
      %get3A_405 = arith.index_cast %get3A_403 : i32 to index
      %get3A_406 = arith.index_cast %mul3A_144 : i32 to index
      %get3A_407 = tpu.vector_load %arg5[%get3A_404, %get3A_405, %get3A_406] {strides = array<i32>} : memref<7x30x64xf32, #tpu.memory_space<vmem>>, vector<1x1x16xf32>,
      %get3A_408 = vector.shape_cast %get3A_407 : vector<1x1x16xf32> to vector<16xf32>
      %get3A_409 = arith.constant 25 : i32
      %get3A_410 = arith.index_cast %sub3A_145 : i32 to index
      %get3A_411 = arith.index_cast %get3A_409 : i32 to index
      %get3A_412 = arith.index_cast %mul3A_144 : i32 to index
      %get3A_413 = tpu.vector_load %arg6[%get3A_410, %get3A_411, %get3A_412] {strides = array<i32>} : memref<7x30x64xf32, #tpu.memory_space<vmem>>, vector<1x1x16xf32>,
      %get3A_414 = vector.shape_cast %get3A_413 : vector<1x1x16xf32> to vector<16xf32>
      %sub3A_415 = arith.subf %get3A_408, %get3A_414 : vector<16xf32>
      %mul3A_416 = arith.mulf %sub3A_415, %sub3A_415 : vector<16xf32>
      %add3A_417 = arith.addf %add3A_402, %mul3A_416 : vector<16xf32>
      %get3A_418 = arith.constant 26 : i32
      %get3A_419 = arith.index_cast %sub3A_145 : i32 to index
      %get3A_420 = arith.index_cast %get3A_418 : i32 to index
      %get3A_421 = arith.index_cast %mul3A_144 : i32 to index
      %get3A_422 = tpu.vector_load %arg5[%get3A_419, %get3A_420, %get3A_421] {strides = array<i32>} : memref<7x30x64xf32, #tpu.memory_space<vmem>>, vector<1x1x16xf32>,
      %get3A_423 = vector.shape_cast %get3A_422 : vector<1x1x16xf32> to vector<16xf32>
      %get3A_424 = arith.constant 26 : i32
      %get3A_425 = arith.index_cast %sub3A_145 : i32 to index
      %get3A_426 = arith.index_cast %get3A_424 : i32 to index
      %get3A_427 = arith.index_cast %mul3A_144 : i32 to index
      %get3A_428 = tpu.vector_load %arg6[%get3A_425, %get3A_426, %get3A_427] {strides = array<i32>} : memref<7x30x64xf32, #tpu.memory_space<vmem>>, vector<1x1x16xf32>,
      %get3A_429 = vector.shape_cast %get3A_428 : vector<1x1x16xf32> to vector<16xf32>
      %sub3A_430 = arith.subf %get3A_423, %get3A_429 : vector<16xf32>
      %mul3A_431 = arith.mulf %sub3A_430, %sub3A_430 : vector<16xf32>
      %add3A_432 = arith.addf %add3A_417, %mul3A_431 : vector<16xf32>
      %get3A_433 = arith.constant 27 : i32
      %get3A_434 = arith.index_cast %sub3A_145 : i32 to index
      %get3A_435 = arith.index_cast %get3A_433 : i32 to index
      %get3A_436 = arith.index_cast %mul3A_144 : i32 to index
      %get3A_437 = tpu.vector_load %arg5[%get3A_434, %get3A_435, %get3A_436] {strides = array<i32>} : memref<7x30x64xf32, #tpu.memory_space<vmem>>, vector<1x1x16xf32>,
      %get3A_438 = vector.shape_cast %get3A_437 : vector<1x1x16xf32> to vector<16xf32>
      %get3A_439 = arith.constant 27 : i32
      %get3A_440 = arith.index_cast %sub3A_145 : i32 to index
      %get3A_441 = arith.index_cast %get3A_439 : i32 to index
      %get3A_442 = arith.index_cast %mul3A_144 : i32 to index
      %get3A_443 = tpu.vector_load %arg6[%get3A_440, %get3A_441, %get3A_442] {strides = array<i32>} : memref<7x30x64xf32, #tpu.memory_space<vmem>>, vector<1x1x16xf32>,
      %get3A_444 = vector.shape_cast %get3A_443 : vector<1x1x16xf32> to vector<16xf32>
      %sub3A_445 = arith.subf %get3A_438, %get3A_444 : vector<16xf32>
      %mul3A_446 = arith.mulf %sub3A_445, %sub3A_445 : vector<16xf32>
      %add3A_447 = arith.addf %add3A_432, %mul3A_446 : vector<16xf32>
      %get3A_448 = arith.constant 28 : i32
      %get3A_449 = arith.index_cast %sub3A_145 : i32 to index
      %get3A_450 = arith.index_cast %get3A_448 : i32 to index
      %get3A_451 = arith.index_cast %mul3A_144 : i32 to index
      %get3A_452 = tpu.vector_load %arg5[%get3A_449, %get3A_450, %get3A_451] {strides = array<i32>} : memref<7x30x64xf32, #tpu.memory_space<vmem>>, vector<1x1x16xf32>,
      %get3A_453 = vector.shape_cast %get3A_452 : vector<1x1x16xf32> to vector<16xf32>
      %get3A_454 = arith.constant 28 : i32
      %get3A_455 = arith.index_cast %sub3A_145 : i32 to index
      %get3A_456 = arith.index_cast %get3A_454 : i32 to index
      %get3A_457 = arith.index_cast %mul3A_144 : i32 to index
      %get3A_458 = tpu.vector_load %arg6[%get3A_455, %get3A_456, %get3A_457] {strides = array<i32>} : memref<7x30x64xf32, #tpu.memory_space<vmem>>, vector<1x1x16xf32>,
      %get3A_459 = vector.shape_cast %get3A_458 : vector<1x1x16xf32> to vector<16xf32>
      %sub3A_460 = arith.subf %get3A_453, %get3A_459 : vector<16xf32>
      %mul3A_461 = arith.mulf %sub3A_460, %sub3A_460 : vector<16xf32>
      %add3A_462 = arith.addf %add3A_447, %mul3A_461 : vector<16xf32>
      %get3A_463 = arith.constant 29 : i32
      %get3A_464 = arith.index_cast %sub3A_145 : i32 to index
      %get3A_465 = arith.index_cast %get3A_463 : i32 to index
      %get3A_466 = arith.index_cast %mul3A_144 : i32 to index
      %get3A_467 = tpu.vector_load %arg5[%get3A_464, %get3A_465, %get3A_466] {strides = array<i32>} : memref<7x30x64xf32, #tpu.memory_space<vmem>>, vector<1x1x16xf32>,
      %get3A_468 = vector.shape_cast %get3A_467 : vector<1x1x16xf32> to vector<16xf32>
      %get3A_469 = arith.constant 29 : i32
      %get3A_470 = arith.index_cast %sub3A_145 : i32 to index
      %get3A_471 = arith.index_cast %get3A_469 : i32 to index
      %get3A_472 = arith.index_cast %mul3A_144 : i32 to index
      %get3A_473 = tpu.vector_load %arg6[%get3A_470, %get3A_471, %get3A_472] {strides = array<i32>} : memref<7x30x64xf32, #tpu.memory_space<vmem>>, vector<1x1x16xf32>,
      %get3A_474 = vector.shape_cast %get3A_473 : vector<1x1x16xf32> to vector<16xf32>
      %sub3A_475 = arith.subf %get3A_468, %get3A_474 : vector<16xf32>
      %mul3A_476 = arith.mulf %sub3A_475, %sub3A_475 : vector<16xf32>
      %add3A_477 = arith.addf %add3A_462, %mul3A_476 : vector<16xf32>
      %get3A_478 = arith.constant 0 : i32
      %get3A_479 = arith.index_cast %sub3A_145 : i32 to index
      %get3A_480 = arith.index_cast %get3A_478 : i32 to index
      %get3A_481 = arith.index_cast %mul3A_144 : i32 to index
      %get3A_482 = tpu.vector_load %arg5[%get3A_479, %get3A_480, %get3A_481] {strides = array<i32>} : memref<7x30x64xf32, #tpu.memory_space<vmem>>, vector<1x1x16xf32>,
      %get3A_483 = vector.shape_cast %get3A_482 : vector<1x1x16xf32> to vector<16xf32>
      %get3A_484 = arith.constant 1 : i32
      %get3A_485 = arith.index_cast %sub3A_145 : i32 to index
      %get3A_486 = arith.index_cast %get3A_484 : i32 to index
      %get3A_487 = arith.index_cast %mul3A_144 : i32 to index
      %get3A_488 = tpu.vector_load %arg5[%get3A_485, %get3A_486, %get3A_487] {strides = array<i32>} : memref<7x30x64xf32, #tpu.memory_space<vmem>>, vector<1x1x16xf32>,
      %get3A_489 = vector.shape_cast %get3A_488 : vector<1x1x16xf32> to vector<16xf32>
      %get3A_490 = arith.constant 2 : i32
      %get3A_491 = arith.index_cast %sub3A_145 : i32 to index
      %get3A_492 = arith.index_cast %get3A_490 : i32 to index
      %get3A_493 = arith.index_cast %mul3A_144 : i32 to index
      %get3A_494 = tpu.vector_load %arg5[%get3A_491, %get3A_492, %get3A_493] {strides = array<i32>} : memref<7x30x64xf32, #tpu.memory_space<vmem>>, vector<1x1x16xf32>,
      %get3A_495 = vector.shape_cast %get3A_494 : vector<1x1x16xf32> to vector<16xf32>
      %get3A_496 = arith.constant 3 : i32
      %get3A_497 = arith.index_cast %sub3A_145 : i32 to index
      %get3A_498 = arith.index_cast %get3A_496 : i32 to index
      %get3A_499 = arith.index_cast %mul3A_144 : i32 to index
      %get3A_500 = tpu.vector_load %arg5[%get3A_497, %get3A_498, %get3A_499] {strides = array<i32>} : memref<7x30x64xf32, #tpu.memory_space<vmem>>, vector<1x1x16xf32>,
      %get3A_501 = vector.shape_cast %get3A_500 : vector<1x1x16xf32> to vector<16xf32>
      %get3A_502 = arith.constant 5 : i32
      %get3A_503 = arith.index_cast %sub3A_145 : i32 to index
      %get3A_504 = arith.index_cast %get3A_502 : i32 to index
      %get3A_505 = arith.index_cast %mul3A_144 : i32 to index
      %get3A_506 = tpu.vector_load %arg5[%get3A_503, %get3A_504, %get3A_505] {strides = array<i32>} : memref<7x30x64xf32, #tpu.memory_space<vmem>>, vector<1x1x16xf32>,
      %get3A_507 = vector.shape_cast %get3A_506 : vector<1x1x16xf32> to vector<16xf32>
      %get3A_508 = arith.constant 6 : i32
      %get3A_509 = arith.index_cast %sub3A_145 : i32 to index
      %get3A_510 = arith.index_cast %get3A_508 : i32 to index
      %get3A_511 = arith.index_cast %mul3A_144 : i32 to index
      %get3A_512 = tpu.vector_load %arg5[%get3A_509, %get3A_510, %get3A_511] {strides = array<i32>} : memref<7x30x64xf32, #tpu.memory_space<vmem>>, vector<1x1x16xf32>,
      %get3A_513 = vector.shape_cast %get3A_512 : vector<1x1x16xf32> to vector<16xf32>
      %get3A_514 = arith.constant 7 : i32
      %get3A_515 = arith.index_cast %sub3A_145 : i32 to index
      %get3A_516 = arith.index_cast %get3A_514 : i32 to index
      %get3A_517 = arith.index_cast %mul3A_144 : i32 to index
      %get3A_518 = tpu.vector_load %arg5[%get3A_515, %get3A_516, %get3A_517] {strides = array<i32>} : memref<7x30x64xf32, #tpu.memory_space<vmem>>, vector<1x1x16xf32>,
      %get3A_519 = vector.shape_cast %get3A_518 : vector<1x1x16xf32> to vector<16xf32>
      %get3A_520 = arith.constant 8 : i32
      %get3A_521 = arith.index_cast %sub3A_145 : i32 to index
      %get3A_522 = arith.index_cast %get3A_520 : i32 to index
      %get3A_523 = arith.index_cast %mul3A_144 : i32 to index
      %get3A_524 = tpu.vector_load %arg5[%get3A_521, %get3A_522, %get3A_523] {strides = array<i32>} : memref<7x30x64xf32, #tpu.memory_space<vmem>>, vector<1x1x16xf32>,
      %get3A_525 = vector.shape_cast %get3A_524 : vector<1x1x16xf32> to vector<16xf32>
      %get3A_526 = arith.constant 0 : i32
      %get3A_527 = arith.index_cast %sub3A_145 : i32 to index
      %get3A_528 = arith.index_cast %get3A_526 : i32 to index
      %get3A_529 = arith.index_cast %mul3A_144 : i32 to index
      %get3A_530 = tpu.vector_load %arg6[%get3A_527, %get3A_528, %get3A_529] {strides = array<i32>} : memref<7x30x64xf32, #tpu.memory_space<vmem>>, vector<1x1x16xf32>,
      %get3A_531 = vector.shape_cast %get3A_530 : vector<1x1x16xf32> to vector<16xf32>
      %get3A_532 = arith.constant 1 : i32
      %get3A_533 = arith.index_cast %sub3A_145 : i32 to index
      %get3A_534 = arith.index_cast %get3A_532 : i32 to index
      %get3A_535 = arith.index_cast %mul3A_144 : i32 to index
      %get3A_536 = tpu.vector_load %arg6[%get3A_533, %get3A_534, %get3A_535] {strides = array<i32>} : memref<7x30x64xf32, #tpu.memory_space<vmem>>, vector<1x1x16xf32>,
      %get3A_537 = vector.shape_cast %get3A_536 : vector<1x1x16xf32> to vector<16xf32>
      %get3A_538 = arith.constant 2 : i32
      %get3A_539 = arith.index_cast %sub3A_145 : i32 to index
      %get3A_540 = arith.index_cast %get3A_538 : i32 to index
      %get3A_541 = arith.index_cast %mul3A_144 : i32 to index
      %get3A_542 = tpu.vector_load %arg6[%get3A_539, %get3A_540, %get3A_541] {strides = array<i32>} : memref<7x30x64xf32, #tpu.memory_space<vmem>>, vector<1x1x16xf32>,
      %get3A_543 = vector.shape_cast %get3A_542 : vector<1x1x16xf32> to vector<16xf32>
      %get3A_544 = arith.constant 3 : i32
      %get3A_545 = arith.index_cast %sub3A_145 : i32 to index
      %get3A_546 = arith.index_cast %get3A_544 : i32 to index
      %get3A_547 = arith.index_cast %mul3A_144 : i32 to index
      %get3A_548 = tpu.vector_load %arg6[%get3A_545, %get3A_546, %get3A_547] {strides = array<i32>} : memref<7x30x64xf32, #tpu.memory_space<vmem>>, vector<1x1x16xf32>,
      %get3A_549 = vector.shape_cast %get3A_548 : vector<1x1x16xf32> to vector<16xf32>
      %get3A_550 = arith.constant 5 : i32
      %get3A_551 = arith.index_cast %sub3A_145 : i32 to index
      %get3A_552 = arith.index_cast %get3A_550 : i32 to index
      %get3A_553 = arith.index_cast %mul3A_144 : i32 to index
      %get3A_554 = tpu.vector_load %arg6[%get3A_551, %get3A_552, %get3A_553] {strides = array<i32>} : memref<7x30x64xf32, #tpu.memory_space<vmem>>, vector<1x1x16xf32>,
      %get3A_555 = vector.shape_cast %get3A_554 : vector<1x1x16xf32> to vector<16xf32>
      %get3A_556 = arith.constant 6 : i32
      %get3A_557 = arith.index_cast %sub3A_145 : i32 to index
      %get3A_558 = arith.index_cast %get3A_556 : i32 to index
      %get3A_559 = arith.index_cast %mul3A_144 : i32 to index
      %get3A_560 = tpu.vector_load %arg6[%get3A_557, %get3A_558, %get3A_559] {strides = array<i32>} : memref<7x30x64xf32, #tpu.memory_space<vmem>>, vector<1x1x16xf32>,
      %get3A_561 = vector.shape_cast %get3A_560 : vector<1x1x16xf32> to vector<16xf32>
      %get3A_562 = arith.constant 7 : i32
      %get3A_563 = arith.index_cast %sub3A_145 : i32 to index
      %get3A_564 = arith.index_cast %get3A_562 : i32 to index
      %get3A_565 = arith.index_cast %mul3A_144 : i32 to index
      %get3A_566 = tpu.vector_load %arg6[%get3A_563, %get3A_564, %get3A_565] {strides = array<i32>} : memref<7x30x64xf32, #tpu.memory_space<vmem>>, vector<1x1x16xf32>,
      %get3A_567 = vector.shape_cast %get3A_566 : vector<1x1x16xf32> to vector<16xf32>
      %get3A_568 = arith.constant 8 : i32
      %get3A_569 = arith.index_cast %sub3A_145 : i32 to index
      %get3A_570 = arith.index_cast %get3A_568 : i32 to index
      %get3A_571 = arith.index_cast %mul3A_144 : i32 to index
      %get3A_572 = tpu.vector_load %arg6[%get3A_569, %get3A_570, %get3A_571] {strides = array<i32>} : memref<7x30x64xf32, #tpu.memory_space<vmem>>, vector<1x1x16xf32>,
      %get3A_573 = vector.shape_cast %get3A_572 : vector<1x1x16xf32> to vector<16xf32>
      %mul3A_574 = arith.constant 0.0714285746 : f32
      %mul3A_575 = vector.broadcast %mul3A_574 : f32 to vector<16xf32>
      %mul3A_576 = arith.mulf %get3A_531, %mul3A_575 : vector<16xf32>
      %mul3A_577 = arith.constant 5.000000e-01 : f32
      %mul3A_578 = vector.broadcast %mul3A_577 : f32 to vector<16xf32>
      %mul3A_579 = arith.mulf %mul3A_578, %get3A_543 : vector<16xf32>
      %sub3A_580 = arith.subf %mul3A_576, %mul3A_579 : vector<16xf32>
      %mul3A_581 = arith.constant 0.0714285746 : f32
      %mul3A_582 = vector.broadcast %mul3A_581 : f32 to vector<16xf32>
      %mul3A_583 = arith.mulf %get3A_531, %mul3A_582 : vector<16xf32>
      %mul3A_584 = arith.constant 5.000000e-01 : f32
      %mul3A_585 = vector.broadcast %mul3A_584 : f32 to vector<16xf32>
      %mul3A_586 = arith.mulf %mul3A_585, %get3A_543 : vector<16xf32>
      %add3A_587 = arith.addf %mul3A_583, %mul3A_586 : vector<16xf32>
      %mul3A_588 = arith.constant 0.0714285746 : f32
      %mul3A_589 = vector.broadcast %mul3A_588 : f32 to vector<16xf32>
      %mul3A_590 = arith.mulf %get3A_537, %mul3A_589 : vector<16xf32>
      %mul3A_591 = arith.constant 5.000000e-01 : f32
      %mul3A_592 = vector.broadcast %mul3A_591 : f32 to vector<16xf32>
      %mul3A_593 = arith.mulf %mul3A_592, %get3A_549 : vector<16xf32>
      %sub3A_594 = arith.subf %mul3A_590, %mul3A_593 : vector<16xf32>
      %mul3A_595 = arith.constant 0.0714285746 : f32
      %mul3A_596 = vector.broadcast %mul3A_595 : f32 to vector<16xf32>
      %mul3A_597 = arith.mulf %get3A_537, %mul3A_596 : vector<16xf32>
      %mul3A_598 = arith.constant 5.000000e-01 : f32
      %mul3A_599 = vector.broadcast %mul3A_598 : f32 to vector<16xf32>
      %mul3A_600 = arith.mulf %mul3A_599, %get3A_549 : vector<16xf32>
      %add3A_601 = arith.addf %mul3A_597, %mul3A_600 : vector<16xf32>
      %sub3A_602 = arith.subf %add3A_587, %sub3A_580 : vector<16xf32>
      %sub3A_603 = arith.subf %add3A_601, %sub3A_594 : vector<16xf32>
      %mul3A_604 = arith.mulf %sub3A_602, %sub3A_603 : vector<16xf32>
      %mul3A_605 = arith.constant 0.0714285746 : f32
      %mul3A_606 = vector.broadcast %mul3A_605 : f32 to vector<16xf32>
      %mul3A_607 = arith.mulf %get3A_483, %mul3A_606 : vector<16xf32>
      %mul3A_608 = arith.constant 5.000000e-01 : f32
      %mul3A_609 = vector.broadcast %mul3A_608 : f32 to vector<16xf32>
      %mul3A_610 = arith.mulf %mul3A_609, %get3A_495 : vector<16xf32>
      %sub3A_611 = arith.subf %mul3A_607, %mul3A_610 : vector<16xf32>
      %mul3A_612 = arith.constant 0.0714285746 : f32
      %mul3A_613 = vector.broadcast %mul3A_612 : f32 to vector<16xf32>
      %mul3A_614 = arith.mulf %get3A_483, %mul3A_613 : vector<16xf32>
      %mul3A_615 = arith.constant 5.000000e-01 : f32
      %mul3A_616 = vector.broadcast %mul3A_615 : f32 to vector<16xf32>
      %mul3A_617 = arith.mulf %mul3A_616, %get3A_495 : vector<16xf32>
      %add3A_618 = arith.addf %mul3A_614, %mul3A_617 : vector<16xf32>
      %mul3A_619 = arith.constant 0.0714285746 : f32
      %mul3A_620 = vector.broadcast %mul3A_619 : f32 to vector<16xf32>
      %mul3A_621 = arith.mulf %get3A_489, %mul3A_620 : vector<16xf32>
      %mul3A_622 = arith.constant 5.000000e-01 : f32
      %mul3A_623 = vector.broadcast %mul3A_622 : f32 to vector<16xf32>
      %mul3A_624 = arith.mulf %mul3A_623, %get3A_501 : vector<16xf32>
      %sub3A_625 = arith.subf %mul3A_621, %mul3A_624 : vector<16xf32>
      %mul3A_626 = arith.constant 0.0714285746 : f32
      %mul3A_627 = vector.broadcast %mul3A_626 : f32 to vector<16xf32>
      %mul3A_628 = arith.mulf %get3A_489, %mul3A_627 : vector<16xf32>
      %mul3A_629 = arith.constant 5.000000e-01 : f32
      %mul3A_630 = vector.broadcast %mul3A_629 : f32 to vector<16xf32>
      %mul3A_631 = arith.mulf %mul3A_630, %get3A_501 : vector<16xf32>
      %add3A_632 = arith.addf %mul3A_628, %mul3A_631 : vector<16xf32>
      %min3A_633 = arith.minimumf %add3A_618, %add3A_587 : vector<16xf32>
      %max3A = arith.maximumf %sub3A_611, %sub3A_580 : vector<16xf32>
      %sub3A_634 = arith.subf %min3A_633, %max3A : vector<16xf32>
      %max3A_635 = arith.constant 0.000000e+00 : f32
      %max3A_636 = vector.broadcast %max3A_635 : f32 to vector<16xf32>
      %max3A_637 = arith.maximumf %sub3A_634, %max3A_636 : vector<16xf32>
      %min3A_638 = arith.minimumf %add3A_632, %add3A_601 : vector<16xf32>
      %max3A_639 = arith.maximumf %sub3A_625, %sub3A_594 : vector<16xf32>
      %sub3A_640 = arith.subf %min3A_638, %max3A_639 : vector<16xf32>
      %max3A_641 = arith.constant 0.000000e+00 : f32
      %max3A_642 = vector.broadcast %max3A_641 : f32 to vector<16xf32>
      %max3A_643 = arith.maximumf %sub3A_640, %max3A_642 : vector<16xf32>
      %mul3A_644 = arith.mulf %max3A_637, %max3A_643 : vector<16xf32>
      %sub3A_645 = arith.subf %add3A_618, %sub3A_611 : vector<16xf32>
      %sub3A_646 = arith.subf %add3A_632, %sub3A_625 : vector<16xf32>
      %mul3A_647 = arith.mulf %sub3A_645, %sub3A_646 : vector<16xf32>
      %add3A_648 = arith.addf %mul3A_647, %mul3A_604 : vector<16xf32>
      %sub3A_649 = arith.subf %add3A_648, %mul3A_644 : vector<16xf32>
      %mul3A_650 = arith.constant 0.0714285746 : f32
      %mul3A_651 = vector.broadcast %mul3A_650 : f32 to vector<16xf32>
      %mul3A_652 = arith.mulf %get3A_507, %mul3A_651 : vector<16xf32>
      %mul3A_653 = arith.constant 5.000000e-01 : f32
      %mul3A_654 = vector.broadcast %mul3A_653 : f32 to vector<16xf32>
      %mul3A_655 = arith.mulf %mul3A_654, %get3A_519 : vector<16xf32>
      %sub3A_656 = arith.subf %mul3A_652, %mul3A_655 : vector<16xf32>
      %mul3A_657 = arith.constant 0.0714285746 : f32
      %mul3A_658 = vector.broadcast %mul3A_657 : f32 to vector<16xf32>
      %mul3A_659 = arith.mulf %get3A_507, %mul3A_658 : vector<16xf32>
      %mul3A_660 = arith.constant 5.000000e-01 : f32
      %mul3A_661 = vector.broadcast %mul3A_660 : f32 to vector<16xf32>
      %mul3A_662 = arith.mulf %mul3A_661, %get3A_519 : vector<16xf32>
      %add3A_663 = arith.addf %mul3A_659, %mul3A_662 : vector<16xf32>
      %mul3A_664 = arith.constant 0.0714285746 : f32
      %mul3A_665 = vector.broadcast %mul3A_664 : f32 to vector<16xf32>
      %mul3A_666 = arith.mulf %get3A_513, %mul3A_665 : vector<16xf32>
      %mul3A_667 = arith.constant 5.000000e-01 : f32
      %mul3A_668 = vector.broadcast %mul3A_667 : f32 to vector<16xf32>
      %mul3A_669 = arith.mulf %mul3A_668, %get3A_525 : vector<16xf32>
      %sub3A_670 = arith.subf %mul3A_666, %mul3A_669 : vector<16xf32>
      %mul3A_671 = arith.constant 0.0714285746 : f32
      %mul3A_672 = vector.broadcast %mul3A_671 : f32 to vector<16xf32>
      %mul3A_673 = arith.mulf %get3A_513, %mul3A_672 : vector<16xf32>
      %mul3A_674 = arith.constant 5.000000e-01 : f32
      %mul3A_675 = vector.broadcast %mul3A_674 : f32 to vector<16xf32>
      %mul3A_676 = arith.mulf %mul3A_675, %get3A_525 : vector<16xf32>
      %add3A_677 = arith.addf %mul3A_673, %mul3A_676 : vector<16xf32>
      %min3A_678 = arith.minimumf %add3A_663, %add3A_587 : vector<16xf32>
      %max3A_679 = arith.maximumf %sub3A_656, %sub3A_580 : vector<16xf32>
      %sub3A_680 = arith.subf %min3A_678, %max3A_679 : vector<16xf32>
      %max3A_681 = arith.constant 0.000000e+00 : f32
      %max3A_682 = vector.broadcast %max3A_681 : f32 to vector<16xf32>
      %max3A_683 = arith.maximumf %sub3A_680, %max3A_682 : vector<16xf32>
      %min3A_684 = arith.minimumf %add3A_677, %add3A_601 : vector<16xf32>
      %max3A_685 = arith.maximumf %sub3A_670, %sub3A_594 : vector<16xf32>
      %sub3A_686 = arith.subf %min3A_684, %max3A_685 : vector<16xf32>
      %max3A_687 = arith.constant 0.000000e+00 : f32
      %max3A_688 = vector.broadcast %max3A_687 : f32 to vector<16xf32>
      %max3A_689 = arith.maximumf %sub3A_686, %max3A_688 : vector<16xf32>
      %mul3A_690 = arith.mulf %max3A_683, %max3A_689 : vector<16xf32>
      %sub3A_691 = arith.subf %add3A_663, %sub3A_656 : vector<16xf32>
      %sub3A_692 = arith.subf %add3A_677, %sub3A_670 : vector<16xf32>
      %mul3A_693 = arith.mulf %sub3A_691, %sub3A_692 : vector<16xf32>
      %add3A_694 = arith.addf %mul3A_693, %mul3A_604 : vector<16xf32>
      %sub3A_695 = arith.subf %add3A_694, %mul3A_690 : vector<16xf32>
      %mul3A_696 = arith.mulf %mul3A_644, %sub3A_695 : vector<16xf32>
      %mul3A_697 = arith.mulf %mul3A_690, %sub3A_649 : vector<16xf32>
      %ge3A = arith.cmpf oge, %mul3A_696, %mul3A_697 : vector<16xf32>
      %select_n3A_698 = arith.select %ge3A, %get3A_483, %get3A_507 : vector<16xi1>, vector<16xf32>
      %select_n3A_699 = arith.select %ge3A, %get3A_489, %get3A_513 : vector<16xi1>, vector<16xf32>
      %select_n3A_700 = arith.select %ge3A, %get3A_495, %get3A_519 : vector<16xi1>, vector<16xf32>
      %select_n3A_701 = arith.select %ge3A, %get3A_501, %get3A_525 : vector<16xi1>, vector<16xf32>
      %select_n3A_702 = arith.select %ge3A, %get3A_161, %get3A_167 : vector<16xi1>, vector<16xf32>
      %select_n3A_703 = arith.select %ge3A, %get3A_167, %get3A_161 : vector<16xi1>, vector<16xf32>
      %select_n3A_704 = arith.select %ge3A, %get3A_531, %get3A_555 : vector<16xi1>, vector<16xf32>
      %select_n3A_705 = arith.select %ge3A, %get3A_537, %get3A_561 : vector<16xi1>, vector<16xf32>
      %select_n3A_706 = arith.select %ge3A, %get3A_543, %get3A_567 : vector<16xi1>, vector<16xf32>
      %select_n3A_707 = arith.select %ge3A, %get3A_549, %get3A_573 : vector<16xi1>, vector<16xf32>
      %sub3A_708 = arith.subf %select_n3A_698, %select_n3A_704 : vector<16xf32>
      %sub3A_709 = arith.subf %select_n3A_699, %select_n3A_705 : vector<16xf32>
      %add3A_710 = arith.addf %select_n3A_700, %select_n3A_706 : vector<16xf32>
      %mul3A_711 = arith.mulf %select_n3A_700, %select_n3A_706 : vector<16xf32>
      %bitcast_convert_type3A = tpu.bitcast %mul3A_711 : vector<16xf32> -> vector<16xi32>
      %shift_right_arithmetic3A = arith.constant 1 : i32
      %shift_right_arithmetic3A_712 = vector.broadcast %shift_right_arithmetic3A : i32 to vector<16xi32>
      %shift_right_arithmetic3A_713 = arith.shrsi %bitcast_convert_type3A, %shift_right_arithmetic3A_712 : vector<16xi32>
      %sub3A_714 = arith.constant 1597463007 : i32
      %sub3A_715 = vector.broadcast %sub3A_714 : i32 to vector<16xi32>
      %sub3A_716 = arith.subi %sub3A_715, %shift_right_arithmetic3A_713 : vector<16xi32>
      %bitcast_convert_type3A_717 = tpu.bitcast %sub3A_716 : vector<16xi32> -> vector<16xf32>
      %mul3A_718 = arith.constant 5.000000e-01 : f32
      %mul3A_719 = vector.broadcast %mul3A_718 : f32 to vector<16xf32>
      %mul3A_720 = arith.mulf %mul3A_719, %mul3A_711 : vector<16xf32>
      %mul3A_721 = arith.mulf %mul3A_720, %bitcast_convert_type3A_717 : vector<16xf32>
      %mul3A_722 = arith.mulf %mul3A_721, %bitcast_convert_type3A_717 : vector<16xf32>
      %sub3A_723 = arith.constant 1.500000e+00 : f32
      %sub3A_724 = vector.broadcast %sub3A_723 : f32 to vector<16xf32>
      %sub3A_725 = arith.subf %sub3A_724, %mul3A_722 : vector<16xf32>
      %mul3A_726 = arith.mulf %bitcast_convert_type3A_717, %sub3A_725 : vector<16xf32>
      %mul3A_727 = arith.mulf %mul3A_720, %mul3A_726 : vector<16xf32>
      %mul3A_728 = arith.mulf %mul3A_727, %mul3A_726 : vector<16xf32>
      %sub3A_729 = arith.constant 1.500000e+00 : f32
      %sub3A_730 = vector.broadcast %sub3A_729 : f32 to vector<16xf32>
      %sub3A_731 = arith.subf %sub3A_730, %mul3A_728 : vector<16xf32>
      %mul3A_732 = arith.mulf %mul3A_726, %sub3A_731 : vector<16xf32>
      %mul3A_733 = arith.mulf %mul3A_720, %mul3A_732 : vector<16xf32>
      %mul3A_734 = arith.mulf %mul3A_733, %mul3A_732 : vector<16xf32>
      %sub3A_735 = arith.constant 1.500000e+00 : f32
      %sub3A_736 = vector.broadcast %sub3A_735 : f32 to vector<16xf32>
      %sub3A_737 = arith.subf %sub3A_736, %mul3A_734 : vector<16xf32>
      %mul3A_738 = arith.mulf %mul3A_732, %sub3A_737 : vector<16xf32>
      %mul3A_739 = arith.mulf %mul3A_711, %mul3A_738 : vector<16xf32>
      %mul3A_740 = arith.constant 2.000000e+00 : f32
      %mul3A_741 = vector.broadcast %mul3A_740 : f32 to vector<16xf32>
      %mul3A_742 = arith.mulf %mul3A_741, %mul3A_739 : vector<16xf32>
      %sub3A_743 = arith.subf %add3A_710, %mul3A_742 : vector<16xf32>
      %add3A_744 = arith.addf %sub3A_743, %select_n3A_701 : vector<16xf32>
      %add3A_745 = arith.addf %add3A_744, %select_n3A_707 : vector<16xf32>
      %mul3A_746 = arith.mulf %select_n3A_701, %select_n3A_707 : vector<16xf32>
      %bitcast_convert_type3A_747 = tpu.bitcast %mul3A_746 : vector<16xf32> -> vector<16xi32>
      %shift_right_arithmetic3A_748 = arith.constant 1 : i32
      %shift_right_arithmetic3A_749 = vector.broadcast %shift_right_arithmetic3A_748 : i32 to vector<16xi32>
      %shift_right_arithmetic3A_750 = arith.shrsi %bitcast_convert_type3A_747, %shift_right_arithmetic3A_749 : vector<16xi32>
      %sub3A_751 = arith.constant 1597463007 : i32
      %sub3A_752 = vector.broadcast %sub3A_751 : i32 to vector<16xi32>
      %sub3A_753 = arith.subi %sub3A_752, %shift_right_arithmetic3A_750 : vector<16xi32>
      %bitcast_convert_type3A_754 = tpu.bitcast %sub3A_753 : vector<16xi32> -> vector<16xf32>
      %mul3A_755 = arith.constant 5.000000e-01 : f32
      %mul3A_756 = vector.broadcast %mul3A_755 : f32 to vector<16xf32>
      %mul3A_757 = arith.mulf %mul3A_756, %mul3A_746 : vector<16xf32>
      %mul3A_758 = arith.mulf %mul3A_757, %bitcast_convert_type3A_754 : vector<16xf32>
      %mul3A_759 = arith.mulf %mul3A_758, %bitcast_convert_type3A_754 : vector<16xf32>
      %sub3A_760 = arith.constant 1.500000e+00 : f32
      %sub3A_761 = vector.broadcast %sub3A_760 : f32 to vector<16xf32>
      %sub3A_762 = arith.subf %sub3A_761, %mul3A_759 : vector<16xf32>
      %mul3A_763 = arith.mulf %bitcast_convert_type3A_754, %sub3A_762 : vector<16xf32>
      %mul3A_764 = arith.mulf %mul3A_757, %mul3A_763 : vector<16xf32>
      %mul3A_765 = arith.mulf %mul3A_764, %mul3A_763 : vector<16xf32>
      %sub3A_766 = arith.constant 1.500000e+00 : f32
      %sub3A_767 = vector.broadcast %sub3A_766 : f32 to vector<16xf32>
      %sub3A_768 = arith.subf %sub3A_767, %mul3A_765 : vector<16xf32>
      %mul3A_769 = arith.mulf %mul3A_763, %sub3A_768 : vector<16xf32>
      %mul3A_770 = arith.mulf %mul3A_757, %mul3A_769 : vector<16xf32>
      %mul3A_771 = arith.mulf %mul3A_770, %mul3A_769 : vector<16xf32>
      %sub3A_772 = arith.constant 1.500000e+00 : f32
      %sub3A_773 = vector.broadcast %sub3A_772 : f32 to vector<16xf32>
      %sub3A_774 = arith.subf %sub3A_773, %mul3A_771 : vector<16xf32>
      %mul3A_775 = arith.mulf %mul3A_769, %sub3A_774 : vector<16xf32>
      %mul3A_776 = arith.mulf %mul3A_746, %mul3A_775 : vector<16xf32>
      %mul3A_777 = arith.constant 2.000000e+00 : f32
      %mul3A_778 = vector.broadcast %mul3A_777 : f32 to vector<16xf32>
      %mul3A_779 = arith.mulf %mul3A_778, %mul3A_776 : vector<16xf32>
      %sub3A_780 = arith.subf %add3A_745, %mul3A_779 : vector<16xf32>
      %mul3A_781 = arith.mulf %sub3A_708, %sub3A_708 : vector<16xf32>
      %mul3A_782 = arith.mulf %sub3A_709, %sub3A_709 : vector<16xf32>
      %add3A_783 = arith.addf %mul3A_781, %mul3A_782 : vector<16xf32>
      %add3A_784 = arith.addf %add3A_783, %sub3A_780 : vector<16xf32>
      %mul3A_785 = arith.constant 5.000000e+00 : f32
      %mul3A_786 = vector.broadcast %mul3A_785 : f32 to vector<16xf32>
      %mul3A_787 = arith.mulf %mul3A_786, %add3A_784 : vector<16xf32>
      %mul3A_788 = arith.mulf %select_n3A_702, %select_n3A_702 : vector<16xf32>
      %mul3A_789 = arith.constant 2.000000e+00 : f32
      %mul3A_790 = vector.broadcast %mul3A_789 : f32 to vector<16xf32>
      %mul3A_791 = arith.mulf %mul3A_790, %mul3A_788 : vector<16xf32>
      %add3A_792 = arith.addf %mul3A_787, %mul3A_791 : vector<16xf32>
      %mul3A_793 = arith.mulf %select_n3A_703, %select_n3A_703 : vector<16xf32>
      %add3A_794 = arith.addf %add3A_792, %mul3A_793 : vector<16xf32>
      %add3A_795 = arith.addf %add3A_794, %add3A_477 : vector<16xf32>
      %jit3A_796 = arith.constant 0.000000e+00 : f32
      %broadcast_in_dim3A_797 = vector.broadcast %jit3A_796 : f32 to vector<16xf32>
      %select_n3A_798 = arith.select %gt3A_152, %add3A_795, %broadcast_in_dim3A_797 : vector<16xi1>, vector<16xf32>
      %mul3A_799 = arith.constant 5.000000e-01 : f32
      %mul3A_800 = vector.broadcast %mul3A_799 : f32 to vector<16xf32>
      %mul3A_801 = arith.mulf %mul3A_800, %add3A_178 : vector<16xf32>
      %jit3A_802 = arith.constant 0.000000e+00 : f32
      %broadcast_in_dim3A_803 = vector.broadcast %jit3A_802 : f32 to vector<16xf32>
      %select_n3A_804 = arith.select %eq3A_155, %mul3A_801, %broadcast_in_dim3A_803 : vector<16xi1>, vector<16xf32>
      %add3A_805 = arith.addf %select_n3A_798, %select_n3A_804 : vector<16xf32>
      %add3A_806 = arith.addf %while3A_108, %add3A_805 : vector<16xf32>
      scf.yield %add3A_806 : vector<16xf32>
    }
    %while3A_102 = arith.constant 1 : i32
    %while3A_103 = scf.for %while3A_107 = %while3A_99 to %while3A_95 step %while3A_102 iter_args(%while3A_108 = %while3A_101) -> (vector<16xf32>)  : i32 {
      %eq3A = arith.constant 0 : i32
      %eq3A_109 = arith.cmpi eq, %while3A_107, %eq3A : i32
      %convert_element_type3A = arith.extui %eq3A_109 : i1 to i32
      %cond3A = arith.constant 0 : i32
      %cond3A_110 = arith.cmpi ne, %convert_element_type3A, %cond3A : i32
      scf.if %cond3A_110 {
        %dma_wait3A = arith.constant 0 : i32
        %dma_wait3A_807 = arith.constant 0 : i32
        %dma_wait3A_808 = arith.constant 0 : i32
        %dma_wait3A_809 = tpu.memref_slice %arg5[%dma_wait3A, %dma_wait3A_807, %dma_wait3A_808] : memref<7x30x64xf32, #tpu.memory_space<vmem>> -> memref<2x30x64xf32, #tpu.memory_space<vmem>>
        %dma_wait3A_810 = arith.constant 0 : i32
        %dma_wait3A_811 = arith.constant 0 : i32
        %dma_wait3A_812 = tpu.memref_slice %arg2[%min3A_28, %dma_wait3A_810, %dma_wait3A_811] : memref<196x30x64xf32, #tpu.memory_space<hbm>> -> memref<2x30x64xf32, #tpu.memory_space<hbm>>
        %dma_wait3A_813 = arith.constant 0 : i32
        %dma_wait3A_814 = arith.constant 0 : i32
        %dma_wait3A_815 = arith.constant 0 : i32
        %dma_wait3A_816 = tpu.memref_slice %arg5[%dma_wait3A_813, %dma_wait3A_814, %dma_wait3A_815] : memref<7x30x64xf32, #tpu.memory_space<vmem>> -> memref<2x30x64xf32, #tpu.memory_space<vmem>>
        %dma_wait3A_817 = arith.constant 0 : i32
        %dma_wait3A_818 = arith.constant 0 : i32
        %dma_wait3A_819 = tpu.memref_slice %arg2[%min3A_28, %dma_wait3A_817, %dma_wait3A_818] : memref<196x30x64xf32, #tpu.memory_space<hbm>> -> memref<2x30x64xf32, #tpu.memory_space<hbm>>
        tpu.wait_dma2 semaphore(%arg8 : memref<!tpu.dma_semaphore, #tpu.memory_space<semaphore_mem>>) src(%dma_wait3A_819 : memref<2x30x64xf32, #tpu.memory_space<hbm>>) dst(%dma_wait3A_816 : memref<2x30x64xf32, #tpu.memory_space<vmem>>)
        %dma_wait3A_820 = arith.constant 0 : i32
        %dma_wait3A_821 = arith.constant 0 : i32
        %dma_wait3A_822 = arith.constant 0 : i32
        %dma_wait3A_823 = tpu.memref_slice %arg6[%dma_wait3A_820, %dma_wait3A_821, %dma_wait3A_822] : memref<7x30x64xf32, #tpu.memory_space<vmem>> -> memref<2x30x64xf32, #tpu.memory_space<vmem>>
        %dma_wait3A_824 = arith.constant 0 : i32
        %dma_wait3A_825 = arith.constant 0 : i32
        %dma_wait3A_826 = tpu.memref_slice %arg3[%min3A_28, %dma_wait3A_824, %dma_wait3A_825] : memref<196x30x64xf32, #tpu.memory_space<hbm>> -> memref<2x30x64xf32, #tpu.memory_space<hbm>>
        %dma_wait3A_827 = arith.constant 0 : i32
        %dma_wait3A_828 = arith.constant 0 : i32
        %dma_wait3A_829 = arith.constant 0 : i32
        %dma_wait3A_830 = tpu.memref_slice %arg6[%dma_wait3A_827, %dma_wait3A_828, %dma_wait3A_829] : memref<7x30x64xf32, #tpu.memory_space<vmem>> -> memref<2x30x64xf32, #tpu.memory_space<vmem>>
        %dma_wait3A_831 = arith.constant 0 : i32
        %dma_wait3A_832 = arith.constant 0 : i32
        %dma_wait3A_833 = tpu.memref_slice %arg3[%min3A_28, %dma_wait3A_831, %dma_wait3A_832] : memref<196x30x64xf32, #tpu.memory_space<hbm>> -> memref<2x30x64xf32, #tpu.memory_space<hbm>>
        tpu.wait_dma2 semaphore(%arg9 : memref<!tpu.dma_semaphore, #tpu.memory_space<semaphore_mem>>) src(%dma_wait3A_833 : memref<2x30x64xf32, #tpu.memory_space<hbm>>) dst(%dma_wait3A_830 : memref<2x30x64xf32, #tpu.memory_space<vmem>>)
      } else {
      }
      %eq3A_111 = arith.cmpi eq, %while3A_107, %sub3A_92 : i32
      %convert_element_type3A_112 = arith.extui %eq3A_111 : i1 to i32
      %cond3A_113 = arith.constant 0 : i32
      %cond3A_114 = arith.cmpi ne, %convert_element_type3A_112, %cond3A_113 : i32
      scf.if %cond3A_114 {
        %dma_wait3A = arith.constant 2 : i32
        %dma_wait3A_807 = arith.constant 0 : i32
        %dma_wait3A_808 = arith.constant 0 : i32
        %dma_wait3A_809 = tpu.memref_slice %arg5[%dma_wait3A, %dma_wait3A_807, %dma_wait3A_808] : memref<7x30x64xf32, #tpu.memory_space<vmem>> -> memref<5x30x64xf32, #tpu.memory_space<vmem>>
        %dma_wait3A_810 = arith.constant 0 : i32
        %dma_wait3A_811 = arith.constant 0 : i32
        %dma_wait3A_812 = tpu.memref_slice %arg2[%add3A_57, %dma_wait3A_810, %dma_wait3A_811] : memref<196x30x64xf32, #tpu.memory_space<hbm>> -> memref<5x30x64xf32, #tpu.memory_space<hbm>>
        %dma_wait3A_813 = arith.constant 2 : i32
        %dma_wait3A_814 = arith.constant 0 : i32
        %dma_wait3A_815 = arith.constant 0 : i32
        %dma_wait3A_816 = tpu.memref_slice %arg5[%dma_wait3A_813, %dma_wait3A_814, %dma_wait3A_815] : memref<7x30x64xf32, #tpu.memory_space<vmem>> -> memref<5x30x64xf32, #tpu.memory_space<vmem>>
        %dma_wait3A_817 = arith.constant 0 : i32
        %dma_wait3A_818 = arith.constant 0 : i32
        %dma_wait3A_819 = tpu.memref_slice %arg2[%add3A_57, %dma_wait3A_817, %dma_wait3A_818] : memref<196x30x64xf32, #tpu.memory_space<hbm>> -> memref<5x30x64xf32, #tpu.memory_space<hbm>>
        tpu.wait_dma2 semaphore(%arg10 : memref<!tpu.dma_semaphore, #tpu.memory_space<semaphore_mem>>) src(%dma_wait3A_819 : memref<5x30x64xf32, #tpu.memory_space<hbm>>) dst(%dma_wait3A_816 : memref<5x30x64xf32, #tpu.memory_space<vmem>>)
        %dma_wait3A_820 = arith.constant 2 : i32
        %dma_wait3A_821 = arith.constant 0 : i32
        %dma_wait3A_822 = arith.constant 0 : i32
        %dma_wait3A_823 = tpu.memref_slice %arg6[%dma_wait3A_820, %dma_wait3A_821, %dma_wait3A_822] : memref<7x30x64xf32, #tpu.memory_space<vmem>> -> memref<5x30x64xf32, #tpu.memory_space<vmem>>
        %dma_wait3A_824 = arith.constant 0 : i32
        %dma_wait3A_825 = arith.constant 0 : i32
        %dma_wait3A_826 = tpu.memref_slice %arg3[%add3A_73, %dma_wait3A_824, %dma_wait3A_825] : memref<196x30x64xf32, #tpu.memory_space<hbm>> -> memref<5x30x64xf32, #tpu.memory_space<hbm>>
        %dma_wait3A_827 = arith.constant 2 : i32
        %dma_wait3A_828 = arith.constant 0 : i32
        %dma_wait3A_829 = arith.constant 0 : i32
        %dma_wait3A_830 = tpu.memref_slice %arg6[%dma_wait3A_827, %dma_wait3A_828, %dma_wait3A_829] : memref<7x30x64xf32, #tpu.memory_space<vmem>> -> memref<5x30x64xf32, #tpu.memory_space<vmem>>
        %dma_wait3A_831 = arith.constant 0 : i32
        %dma_wait3A_832 = arith.constant 0 : i32
        %dma_wait3A_833 = tpu.memref_slice %arg3[%add3A_73, %dma_wait3A_831, %dma_wait3A_832] : memref<196x30x64xf32, #tpu.memory_space<hbm>> -> memref<5x30x64xf32, #tpu.memory_space<hbm>>
        tpu.wait_dma2 semaphore(%arg11 : memref<!tpu.dma_semaphore, #tpu.memory_space<semaphore_mem>>) src(%dma_wait3A_833 : memref<5x30x64xf32, #tpu.memory_space<hbm>>) dst(%dma_wait3A_830 : memref<5x30x64xf32, #tpu.memory_space<vmem>>)
      } else {
      }
      %add3A_115 = arith.addi %add3A_4, %while3A_107 : i32
      %jit3A_116 = arith.constant 4 : i32
      %div3A_117 = arith.divsi %add3A_115, %jit3A_116 : i32
      %sign3A_118 = arith.constant 0 : i32
      %sign3A_119 = arith.cmpi sgt, %add3A_115, %sign3A_118 : i32
      %sign3A_120 = arith.extui %sign3A_119 : i1 to i32
      %sign3A_121 = arith.constant 0 : i32
      %sign3A_122 = arith.cmpi slt, %add3A_115, %sign3A_121 : i32
      %sign3A_123 = arith.extui %sign3A_122 : i1 to i32
      %sign3A_124 = arith.subi %sign3A_120, %sign3A_123 : i32
      %sign3A_125 = arith.constant 0 : i32
      %sign3A_126 = arith.cmpi sgt, %jit3A_116, %sign3A_125 : i32
      %sign3A_127 = arith.extui %sign3A_126 : i1 to i32
      %sign3A_128 = arith.constant 0 : i32
      %sign3A_129 = arith.cmpi slt, %jit3A_116, %sign3A_128 : i32
      %sign3A_130 = arith.extui %sign3A_129 : i1 to i32
      %sign3A_131 = arith.subi %sign3A_127, %sign3A_130 : i32
      %ne3A_132 = arith.cmpi ne, %sign3A_124, %sign3A_131 : i32
      %rem3A_133 = arith.remsi %add3A_115, %jit3A_116 : i32
      %ne3A_134 = arith.constant 0 : i32
      %ne3A_135 = arith.cmpi ne, %rem3A_133, %ne3A_134 : i32
      %and3A_136 = arith.andi %ne3A_132, %ne3A_135 : i1
      %sub3A_137 = arith.constant 1 : i32
      %sub3A_138 = arith.subi %div3A_117, %sub3A_137 : i32
      %select_n3A_139 = arith.select %and3A_136, %sub3A_138, %div3A_117 : i32
      %mul3A_140 = arith.constant 4 : i32
      %mul3A_141 = arith.muli %select_n3A_139, %mul3A_140 : i32
      %sub3A_142 = arith.subi %add3A_115, %mul3A_141 : i32
      %mul3A_143 = arith.constant 16 : i32
      %mul3A_144 = arith.muli %sub3A_142, %mul3A_143 : i32
      %sub3A_145 = arith.subi %select_n3A_139, %min3A_28 : i32
      %get3A = arith.constant 4 : i32
      %get3A_146 = arith.index_cast %sub3A_145 : i32 to index
      %get3A_147 = arith.index_cast %get3A : i32 to index
      %get3A_148 = arith.index_cast %mul3A_144 : i32 to index
      %get3A_149 = tpu.vector_load %arg6[%get3A_146, %get3A_147, %get3A_148] {strides = array<i32>} : memref<7x30x64xf32, #tpu.memory_space<vmem>>, vector<1x1x16xf32>,
      %get3A_150 = vector.shape_cast %get3A_149 : vector<1x1x16xf32> to vector<16xf32>
      %gt3A = arith.constant 0.000000e+00 : f32
      %gt3A_151 = vector.broadcast %gt3A : f32 to vector<16xf32>
      %gt3A_152 = arith.cmpf ogt, %get3A_150, %gt3A_151 : vector<16xf32>
      %eq3A_153 = arith.constant 0.000000e+00 : f32
      %eq3A_154 = vector.broadcast %eq3A_153 : f32 to vector<16xf32>
      %eq3A_155 = arith.cmpf oeq, %get3A_150, %eq3A_154 : vector<16xf32>
      %get3A_156 = arith.constant 4 : i32
      %get3A_157 = arith.index_cast %sub3A_145 : i32 to index
      %get3A_158 = arith.index_cast %get3A_156 : i32 to index
      %get3A_159 = arith.index_cast %mul3A_144 : i32 to index
      %get3A_160 = tpu.vector_load %arg5[%get3A_157, %get3A_158, %get3A_159] {strides = array<i32>} : memref<7x30x64xf32, #tpu.memory_space<vmem>>, vector<1x1x16xf32>,
      %get3A_161 = vector.shape_cast %get3A_160 : vector<1x1x16xf32> to vector<16xf32>
      %get3A_162 = arith.constant 9 : i32
      %get3A_163 = arith.index_cast %sub3A_145 : i32 to index
      %get3A_164 = arith.index_cast %get3A_162 : i32 to index
      %get3A_165 = arith.index_cast %mul3A_144 : i32 to index
      %get3A_166 = tpu.vector_load %arg5[%get3A_163, %get3A_164, %get3A_165] {strides = array<i32>} : memref<7x30x64xf32, #tpu.memory_space<vmem>>, vector<1x1x16xf32>,
      %get3A_167 = vector.shape_cast %get3A_166 : vector<1x1x16xf32> to vector<16xf32>
      %get3A_168 = arith.constant 9 : i32
      %get3A_169 = arith.index_cast %sub3A_145 : i32 to index
      %get3A_170 = arith.index_cast %get3A_168 : i32 to index
      %get3A_171 = arith.index_cast %mul3A_144 : i32 to index
      %get3A_172 = tpu.vector_load %arg6[%get3A_169, %get3A_170, %get3A_171] {strides = array<i32>} : memref<7x30x64xf32, #tpu.memory_space<vmem>>, vector<1x1x16xf32>,
      %get3A_173 = vector.shape_cast %get3A_172 : vector<1x1x16xf32> to vector<16xf32>
      %sub3A_174 = arith.subf %get3A_161, %get3A_150 : vector<16xf32>
      %sub3A_175 = arith.subf %get3A_167, %get3A_173 : vector<16xf32>
      %mul3A_176 = arith.mulf %sub3A_174, %sub3A_174 : vector<16xf32>
      %mul3A_177 = arith.mulf %sub3A_175, %sub3A_175 : vector<16xf32>
      %add3A_178 = arith.addf %mul3A_176, %mul3A_177 : vector<16xf32>
      %get3A_179 = arith.constant 10 : i32
      %get3A_180 = arith.index_cast %sub3A_145 : i32 to index
      %get3A_181 = arith.index_cast %get3A_179 : i32 to index
      %get3A_182 = arith.index_cast %mul3A_144 : i32 to index
      %get3A_183 = tpu.vector_load %arg5[%get3A_180, %get3A_181, %get3A_182] {strides = array<i32>} : memref<7x30x64xf32, #tpu.memory_space<vmem>>, vector<1x1x16xf32>,
      %get3A_184 = vector.shape_cast %get3A_183 : vector<1x1x16xf32> to vector<16xf32>
      %get3A_185 = arith.constant 10 : i32
      %get3A_186 = arith.index_cast %sub3A_145 : i32 to index
      %get3A_187 = arith.index_cast %get3A_185 : i32 to index
      %get3A_188 = arith.index_cast %mul3A_144 : i32 to index
      %get3A_189 = tpu.vector_load %arg6[%get3A_186, %get3A_187, %get3A_188] {strides = array<i32>} : memref<7x30x64xf32, #tpu.memory_space<vmem>>, vector<1x1x16xf32>,
      %get3A_190 = vector.shape_cast %get3A_189 : vector<1x1x16xf32> to vector<16xf32>
      %sub3A_191 = arith.subf %get3A_184, %get3A_190 : vector<16xf32>
      %mul3A_192 = arith.mulf %sub3A_191, %sub3A_191 : vector<16xf32>
      %get3A_193 = arith.constant 11 : i32
      %get3A_194 = arith.index_cast %sub3A_145 : i32 to index
      %get3A_195 = arith.index_cast %get3A_193 : i32 to index
      %get3A_196 = arith.index_cast %mul3A_144 : i32 to index
      %get3A_197 = tpu.vector_load %arg5[%get3A_194, %get3A_195, %get3A_196] {strides = array<i32>} : memref<7x30x64xf32, #tpu.memory_space<vmem>>, vector<1x1x16xf32>,
      %get3A_198 = vector.shape_cast %get3A_197 : vector<1x1x16xf32> to vector<16xf32>
      %get3A_199 = arith.constant 11 : i32
      %get3A_200 = arith.index_cast %sub3A_145 : i32 to index
      %get3A_201 = arith.index_cast %get3A_199 : i32 to index
      %get3A_202 = arith.index_cast %mul3A_144 : i32 to index
      %get3A_203 = tpu.vector_load %arg6[%get3A_200, %get3A_201, %get3A_202] {strides = array<i32>} : memref<7x30x64xf32, #tpu.memory_space<vmem>>, vector<1x1x16xf32>,
      %get3A_204 = vector.shape_cast %get3A_203 : vector<1x1x16xf32> to vector<16xf32>
      %sub3A_205 = arith.subf %get3A_198, %get3A_204 : vector<16xf32>
      %mul3A_206 = arith.mulf %sub3A_205, %sub3A_205 : vector<16xf32>
      %add3A_207 = arith.addf %mul3A_192, %mul3A_206 : vector<16xf32>
      %get3A_208 = arith.constant 12 : i32
      %get3A_209 = arith.index_cast %sub3A_145 : i32 to index
      %get3A_210 = arith.index_cast %get3A_208 : i32 to index
      %get3A_211 = arith.index_cast %mul3A_144 : i32 to index
      %get3A_212 = tpu.vector_load %arg5[%get3A_209, %get3A_210, %get3A_211] {strides = array<i32>} : memref<7x30x64xf32, #tpu.memory_space<vmem>>, vector<1x1x16xf32>,
      %get3A_213 = vector.shape_cast %get3A_212 : vector<1x1x16xf32> to vector<16xf32>
      %get3A_214 = arith.constant 12 : i32
      %get3A_215 = arith.index_cast %sub3A_145 : i32 to index
      %get3A_216 = arith.index_cast %get3A_214 : i32 to index
      %get3A_217 = arith.index_cast %mul3A_144 : i32 to index
      %get3A_218 = tpu.vector_load %arg6[%get3A_215, %get3A_216, %get3A_217] {strides = array<i32>} : memref<7x30x64xf32, #tpu.memory_space<vmem>>, vector<1x1x16xf32>,
      %get3A_219 = vector.shape_cast %get3A_218 : vector<1x1x16xf32> to vector<16xf32>
      %sub3A_220 = arith.subf %get3A_213, %get3A_219 : vector<16xf32>
      %mul3A_221 = arith.mulf %sub3A_220, %sub3A_220 : vector<16xf32>
      %add3A_222 = arith.addf %add3A_207, %mul3A_221 : vector<16xf32>
      %get3A_223 = arith.constant 13 : i32
      %get3A_224 = arith.index_cast %sub3A_145 : i32 to index
      %get3A_225 = arith.index_cast %get3A_223 : i32 to index
      %get3A_226 = arith.index_cast %mul3A_144 : i32 to index
      %get3A_227 = tpu.vector_load %arg5[%get3A_224, %get3A_225, %get3A_226] {strides = array<i32>} : memref<7x30x64xf32, #tpu.memory_space<vmem>>, vector<1x1x16xf32>,
      %get3A_228 = vector.shape_cast %get3A_227 : vector<1x1x16xf32> to vector<16xf32>
      %get3A_229 = arith.constant 13 : i32
      %get3A_230 = arith.index_cast %sub3A_145 : i32 to index
      %get3A_231 = arith.index_cast %get3A_229 : i32 to index
      %get3A_232 = arith.index_cast %mul3A_144 : i32 to index
      %get3A_233 = tpu.vector_load %arg6[%get3A_230, %get3A_231, %get3A_232] {strides = array<i32>} : memref<7x30x64xf32, #tpu.memory_space<vmem>>, vector<1x1x16xf32>,
      %get3A_234 = vector.shape_cast %get3A_233 : vector<1x1x16xf32> to vector<16xf32>
      %sub3A_235 = arith.subf %get3A_228, %get3A_234 : vector<16xf32>
      %mul3A_236 = arith.mulf %sub3A_235, %sub3A_235 : vector<16xf32>
      %add3A_237 = arith.addf %add3A_222, %mul3A_236 : vector<16xf32>
      %get3A_238 = arith.constant 14 : i32
      %get3A_239 = arith.index_cast %sub3A_145 : i32 to index
      %get3A_240 = arith.index_cast %get3A_238 : i32 to index
      %get3A_241 = arith.index_cast %mul3A_144 : i32 to index
      %get3A_242 = tpu.vector_load %arg5[%get3A_239, %get3A_240, %get3A_241] {strides = array<i32>} : memref<7x30x64xf32, #tpu.memory_space<vmem>>, vector<1x1x16xf32>,
      %get3A_243 = vector.shape_cast %get3A_242 : vector<1x1x16xf32> to vector<16xf32>
      %get3A_244 = arith.constant 14 : i32
      %get3A_245 = arith.index_cast %sub3A_145 : i32 to index
      %get3A_246 = arith.index_cast %get3A_244 : i32 to index
      %get3A_247 = arith.index_cast %mul3A_144 : i32 to index
      %get3A_248 = tpu.vector_load %arg6[%get3A_245, %get3A_246, %get3A_247] {strides = array<i32>} : memref<7x30x64xf32, #tpu.memory_space<vmem>>, vector<1x1x16xf32>,
      %get3A_249 = vector.shape_cast %get3A_248 : vector<1x1x16xf32> to vector<16xf32>
      %sub3A_250 = arith.subf %get3A_243, %get3A_249 : vector<16xf32>
      %mul3A_251 = arith.mulf %sub3A_250, %sub3A_250 : vector<16xf32>
      %add3A_252 = arith.addf %add3A_237, %mul3A_251 : vector<16xf32>
      %get3A_253 = arith.constant 15 : i32
      %get3A_254 = arith.index_cast %sub3A_145 : i32 to index
      %get3A_255 = arith.index_cast %get3A_253 : i32 to index
      %get3A_256 = arith.index_cast %mul3A_144 : i32 to index
      %get3A_257 = tpu.vector_load %arg5[%get3A_254, %get3A_255, %get3A_256] {strides = array<i32>} : memref<7x30x64xf32, #tpu.memory_space<vmem>>, vector<1x1x16xf32>,
      %get3A_258 = vector.shape_cast %get3A_257 : vector<1x1x16xf32> to vector<16xf32>
      %get3A_259 = arith.constant 15 : i32
      %get3A_260 = arith.index_cast %sub3A_145 : i32 to index
      %get3A_261 = arith.index_cast %get3A_259 : i32 to index
      %get3A_262 = arith.index_cast %mul3A_144 : i32 to index
      %get3A_263 = tpu.vector_load %arg6[%get3A_260, %get3A_261, %get3A_262] {strides = array<i32>} : memref<7x30x64xf32, #tpu.memory_space<vmem>>, vector<1x1x16xf32>,
      %get3A_264 = vector.shape_cast %get3A_263 : vector<1x1x16xf32> to vector<16xf32>
      %sub3A_265 = arith.subf %get3A_258, %get3A_264 : vector<16xf32>
      %mul3A_266 = arith.mulf %sub3A_265, %sub3A_265 : vector<16xf32>
      %add3A_267 = arith.addf %add3A_252, %mul3A_266 : vector<16xf32>
      %get3A_268 = arith.constant 16 : i32
      %get3A_269 = arith.index_cast %sub3A_145 : i32 to index
      %get3A_270 = arith.index_cast %get3A_268 : i32 to index
      %get3A_271 = arith.index_cast %mul3A_144 : i32 to index
      %get3A_272 = tpu.vector_load %arg5[%get3A_269, %get3A_270, %get3A_271] {strides = array<i32>} : memref<7x30x64xf32, #tpu.memory_space<vmem>>, vector<1x1x16xf32>,
      %get3A_273 = vector.shape_cast %get3A_272 : vector<1x1x16xf32> to vector<16xf32>
      %get3A_274 = arith.constant 16 : i32
      %get3A_275 = arith.index_cast %sub3A_145 : i32 to index
      %get3A_276 = arith.index_cast %get3A_274 : i32 to index
      %get3A_277 = arith.index_cast %mul3A_144 : i32 to index
      %get3A_278 = tpu.vector_load %arg6[%get3A_275, %get3A_276, %get3A_277] {strides = array<i32>} : memref<7x30x64xf32, #tpu.memory_space<vmem>>, vector<1x1x16xf32>,
      %get3A_279 = vector.shape_cast %get3A_278 : vector<1x1x16xf32> to vector<16xf32>
      %sub3A_280 = arith.subf %get3A_273, %get3A_279 : vector<16xf32>
      %mul3A_281 = arith.mulf %sub3A_280, %sub3A_280 : vector<16xf32>
      %add3A_282 = arith.addf %add3A_267, %mul3A_281 : vector<16xf32>
      %get3A_283 = arith.constant 17 : i32
      %get3A_284 = arith.index_cast %sub3A_145 : i32 to index
      %get3A_285 = arith.index_cast %get3A_283 : i32 to index
      %get3A_286 = arith.index_cast %mul3A_144 : i32 to index
      %get3A_287 = tpu.vector_load %arg5[%get3A_284, %get3A_285, %get3A_286] {strides = array<i32>} : memref<7x30x64xf32, #tpu.memory_space<vmem>>, vector<1x1x16xf32>,
      %get3A_288 = vector.shape_cast %get3A_287 : vector<1x1x16xf32> to vector<16xf32>
      %get3A_289 = arith.constant 17 : i32
      %get3A_290 = arith.index_cast %sub3A_145 : i32 to index
      %get3A_291 = arith.index_cast %get3A_289 : i32 to index
      %get3A_292 = arith.index_cast %mul3A_144 : i32 to index
      %get3A_293 = tpu.vector_load %arg6[%get3A_290, %get3A_291, %get3A_292] {strides = array<i32>} : memref<7x30x64xf32, #tpu.memory_space<vmem>>, vector<1x1x16xf32>,
      %get3A_294 = vector.shape_cast %get3A_293 : vector<1x1x16xf32> to vector<16xf32>
      %sub3A_295 = arith.subf %get3A_288, %get3A_294 : vector<16xf32>
      %mul3A_296 = arith.mulf %sub3A_295, %sub3A_295 : vector<16xf32>
      %add3A_297 = arith.addf %add3A_282, %mul3A_296 : vector<16xf32>
      %get3A_298 = arith.constant 18 : i32
      %get3A_299 = arith.index_cast %sub3A_145 : i32 to index
      %get3A_300 = arith.index_cast %get3A_298 : i32 to index
      %get3A_301 = arith.index_cast %mul3A_144 : i32 to index
      %get3A_302 = tpu.vector_load %arg5[%get3A_299, %get3A_300, %get3A_301] {strides = array<i32>} : memref<7x30x64xf32, #tpu.memory_space<vmem>>, vector<1x1x16xf32>,
      %get3A_303 = vector.shape_cast %get3A_302 : vector<1x1x16xf32> to vector<16xf32>
      %get3A_304 = arith.constant 18 : i32
      %get3A_305 = arith.index_cast %sub3A_145 : i32 to index
      %get3A_306 = arith.index_cast %get3A_304 : i32 to index
      %get3A_307 = arith.index_cast %mul3A_144 : i32 to index
      %get3A_308 = tpu.vector_load %arg6[%get3A_305, %get3A_306, %get3A_307] {strides = array<i32>} : memref<7x30x64xf32, #tpu.memory_space<vmem>>, vector<1x1x16xf32>,
      %get3A_309 = vector.shape_cast %get3A_308 : vector<1x1x16xf32> to vector<16xf32>
      %sub3A_310 = arith.subf %get3A_303, %get3A_309 : vector<16xf32>
      %mul3A_311 = arith.mulf %sub3A_310, %sub3A_310 : vector<16xf32>
      %add3A_312 = arith.addf %add3A_297, %mul3A_311 : vector<16xf32>
      %get3A_313 = arith.constant 19 : i32
      %get3A_314 = arith.index_cast %sub3A_145 : i32 to index
      %get3A_315 = arith.index_cast %get3A_313 : i32 to index
      %get3A_316 = arith.index_cast %mul3A_144 : i32 to index
      %get3A_317 = tpu.vector_load %arg5[%get3A_314, %get3A_315, %get3A_316] {strides = array<i32>} : memref<7x30x64xf32, #tpu.memory_space<vmem>>, vector<1x1x16xf32>,
      %get3A_318 = vector.shape_cast %get3A_317 : vector<1x1x16xf32> to vector<16xf32>
      %get3A_319 = arith.constant 19 : i32
      %get3A_320 = arith.index_cast %sub3A_145 : i32 to index
      %get3A_321 = arith.index_cast %get3A_319 : i32 to index
      %get3A_322 = arith.index_cast %mul3A_144 : i32 to index
      %get3A_323 = tpu.vector_load %arg6[%get3A_320, %get3A_321, %get3A_322] {strides = array<i32>} : memref<7x30x64xf32, #tpu.memory_space<vmem>>, vector<1x1x16xf32>,
      %get3A_324 = vector.shape_cast %get3A_323 : vector<1x1x16xf32> to vector<16xf32>
      %sub3A_325 = arith.subf %get3A_318, %get3A_324 : vector<16xf32>
      %mul3A_326 = arith.mulf %sub3A_325, %sub3A_325 : vector<16xf32>
      %add3A_327 = arith.addf %add3A_312, %mul3A_326 : vector<16xf32>
      %get3A_328 = arith.constant 20 : i32
      %get3A_329 = arith.index_cast %sub3A_145 : i32 to index
      %get3A_330 = arith.index_cast %get3A_328 : i32 to index
      %get3A_331 = arith.index_cast %mul3A_144 : i32 to index
      %get3A_332 = tpu.vector_load %arg5[%get3A_329, %get3A_330, %get3A_331] {strides = array<i32>} : memref<7x30x64xf32, #tpu.memory_space<vmem>>, vector<1x1x16xf32>,
      %get3A_333 = vector.shape_cast %get3A_332 : vector<1x1x16xf32> to vector<16xf32>
      %get3A_334 = arith.constant 20 : i32
      %get3A_335 = arith.index_cast %sub3A_145 : i32 to index
      %get3A_336 = arith.index_cast %get3A_334 : i32 to index
      %get3A_337 = arith.index_cast %mul3A_144 : i32 to index
      %get3A_338 = tpu.vector_load %arg6[%get3A_335, %get3A_336, %get3A_337] {strides = array<i32>} : memref<7x30x64xf32, #tpu.memory_space<vmem>>, vector<1x1x16xf32>,
      %get3A_339 = vector.shape_cast %get3A_338 : vector<1x1x16xf32> to vector<16xf32>
      %sub3A_340 = arith.subf %get3A_333, %get3A_339 : vector<16xf32>
      %mul3A_341 = arith.mulf %sub3A_340, %sub3A_340 : vector<16xf32>
      %add3A_342 = arith.addf %add3A_327, %mul3A_341 : vector<16xf32>
      %get3A_343 = arith.constant 21 : i32
      %get3A_344 = arith.index_cast %sub3A_145 : i32 to index
      %get3A_345 = arith.index_cast %get3A_343 : i32 to index
      %get3A_346 = arith.index_cast %mul3A_144 : i32 to index
      %get3A_347 = tpu.vector_load %arg5[%get3A_344, %get3A_345, %get3A_346] {strides = array<i32>} : memref<7x30x64xf32, #tpu.memory_space<vmem>>, vector<1x1x16xf32>,
      %get3A_348 = vector.shape_cast %get3A_347 : vector<1x1x16xf32> to vector<16xf32>
      %get3A_349 = arith.constant 21 : i32
      %get3A_350 = arith.index_cast %sub3A_145 : i32 to index
      %get3A_351 = arith.index_cast %get3A_349 : i32 to index
      %get3A_352 = arith.index_cast %mul3A_144 : i32 to index
      %get3A_353 = tpu.vector_load %arg6[%get3A_350, %get3A_351, %get3A_352] {strides = array<i32>} : memref<7x30x64xf32, #tpu.memory_space<vmem>>, vector<1x1x16xf32>,
      %get3A_354 = vector.shape_cast %get3A_353 : vector<1x1x16xf32> to vector<16xf32>
      %sub3A_355 = arith.subf %get3A_348, %get3A_354 : vector<16xf32>
      %mul3A_356 = arith.mulf %sub3A_355, %sub3A_355 : vector<16xf32>
      %add3A_357 = arith.addf %add3A_342, %mul3A_356 : vector<16xf32>
      %get3A_358 = arith.constant 22 : i32
      %get3A_359 = arith.index_cast %sub3A_145 : i32 to index
      %get3A_360 = arith.index_cast %get3A_358 : i32 to index
      %get3A_361 = arith.index_cast %mul3A_144 : i32 to index
      %get3A_362 = tpu.vector_load %arg5[%get3A_359, %get3A_360, %get3A_361] {strides = array<i32>} : memref<7x30x64xf32, #tpu.memory_space<vmem>>, vector<1x1x16xf32>,
      %get3A_363 = vector.shape_cast %get3A_362 : vector<1x1x16xf32> to vector<16xf32>
      %get3A_364 = arith.constant 22 : i32
      %get3A_365 = arith.index_cast %sub3A_145 : i32 to index
      %get3A_366 = arith.index_cast %get3A_364 : i32 to index
      %get3A_367 = arith.index_cast %mul3A_144 : i32 to index
      %get3A_368 = tpu.vector_load %arg6[%get3A_365, %get3A_366, %get3A_367] {strides = array<i32>} : memref<7x30x64xf32, #tpu.memory_space<vmem>>, vector<1x1x16xf32>,
      %get3A_369 = vector.shape_cast %get3A_368 : vector<1x1x16xf32> to vector<16xf32>
      %sub3A_370 = arith.subf %get3A_363, %get3A_369 : vector<16xf32>
      %mul3A_371 = arith.mulf %sub3A_370, %sub3A_370 : vector<16xf32>
      %add3A_372 = arith.addf %add3A_357, %mul3A_371 : vector<16xf32>
      %get3A_373 = arith.constant 23 : i32
      %get3A_374 = arith.index_cast %sub3A_145 : i32 to index
      %get3A_375 = arith.index_cast %get3A_373 : i32 to index
      %get3A_376 = arith.index_cast %mul3A_144 : i32 to index
      %get3A_377 = tpu.vector_load %arg5[%get3A_374, %get3A_375, %get3A_376] {strides = array<i32>} : memref<7x30x64xf32, #tpu.memory_space<vmem>>, vector<1x1x16xf32>,
      %get3A_378 = vector.shape_cast %get3A_377 : vector<1x1x16xf32> to vector<16xf32>
      %get3A_379 = arith.constant 23 : i32
      %get3A_380 = arith.index_cast %sub3A_145 : i32 to index
      %get3A_381 = arith.index_cast %get3A_379 : i32 to index
      %get3A_382 = arith.index_cast %mul3A_144 : i32 to index
      %get3A_383 = tpu.vector_load %arg6[%get3A_380, %get3A_381, %get3A_382] {strides = array<i32>} : memref<7x30x64xf32, #tpu.memory_space<vmem>>, vector<1x1x16xf32>,
      %get3A_384 = vector.shape_cast %get3A_383 : vector<1x1x16xf32> to vector<16xf32>
      %sub3A_385 = arith.subf %get3A_378, %get3A_384 : vector<16xf32>
      %mul3A_386 = arith.mulf %sub3A_385, %sub3A_385 : vector<16xf32>
      %add3A_387 = arith.addf %add3A_372, %mul3A_386 : vector<16xf32>
      %get3A_388 = arith.constant 24 : i32
      %get3A_389 = arith.index_cast %sub3A_145 : i32 to index
      %get3A_390 = arith.index_cast %get3A_388 : i32 to index
      %get3A_391 = arith.index_cast %mul3A_144 : i32 to index
      %get3A_392 = tpu.vector_load %arg5[%get3A_389, %get3A_390, %get3A_391] {strides = array<i32>} : memref<7x30x64xf32, #tpu.memory_space<vmem>>, vector<1x1x16xf32>,
      %get3A_393 = vector.shape_cast %get3A_392 : vector<1x1x16xf32> to vector<16xf32>
      %get3A_394 = arith.constant 24 : i32
      %get3A_395 = arith.index_cast %sub3A_145 : i32 to index
      %get3A_396 = arith.index_cast %get3A_394 : i32 to index
      %get3A_397 = arith.index_cast %mul3A_144 : i32 to index
      %get3A_398 = tpu.vector_load %arg6[%get3A_395, %get3A_396, %get3A_397] {strides = array<i32>} : memref<7x30x64xf32, #tpu.memory_space<vmem>>, vector<1x1x16xf32>,
      %get3A_399 = vector.shape_cast %get3A_398 : vector<1x1x16xf32> to vector<16xf32>
      %sub3A_400 = arith.subf %get3A_393, %get3A_399 : vector<16xf32>
      %mul3A_401 = arith.mulf %sub3A_400, %sub3A_400 : vector<16xf32>
      %add3A_402 = arith.addf %add3A_387, %mul3A_401 : vector<16xf32>
      %get3A_403 = arith.constant 25 : i32
      %get3A_404 = arith.index_cast %sub3A_145 : i32 to index
      %get3A_405 = arith.index_cast %get3A_403 : i32 to index
      %get3A_406 = arith.index_cast %mul3A_144 : i32 to index
      %get3A_407 = tpu.vector_load %arg5[%get3A_404, %get3A_405, %get3A_406] {strides = array<i32>} : memref<7x30x64xf32, #tpu.memory_space<vmem>>, vector<1x1x16xf32>,
      %get3A_408 = vector.shape_cast %get3A_407 : vector<1x1x16xf32> to vector<16xf32>
      %get3A_409 = arith.constant 25 : i32
      %get3A_410 = arith.index_cast %sub3A_145 : i32 to index
      %get3A_411 = arith.index_cast %get3A_409 : i32 to index
      %get3A_412 = arith.index_cast %mul3A_144 : i32 to index
      %get3A_413 = tpu.vector_load %arg6[%get3A_410, %get3A_411, %get3A_412] {strides = array<i32>} : memref<7x30x64xf32, #tpu.memory_space<vmem>>, vector<1x1x16xf32>,
      %get3A_414 = vector.shape_cast %get3A_413 : vector<1x1x16xf32> to vector<16xf32>
      %sub3A_415 = arith.subf %get3A_408, %get3A_414 : vector<16xf32>
      %mul3A_416 = arith.mulf %sub3A_415, %sub3A_415 : vector<16xf32>
      %add3A_417 = arith.addf %add3A_402, %mul3A_416 : vector<16xf32>
      %get3A_418 = arith.constant 26 : i32
      %get3A_419 = arith.index_cast %sub3A_145 : i32 to index
      %get3A_420 = arith.index_cast %get3A_418 : i32 to index
      %get3A_421 = arith.index_cast %mul3A_144 : i32 to index
      %get3A_422 = tpu.vector_load %arg5[%get3A_419, %get3A_420, %get3A_421] {strides = array<i32>} : memref<7x30x64xf32, #tpu.memory_space<vmem>>, vector<1x1x16xf32>,
      %get3A_423 = vector.shape_cast %get3A_422 : vector<1x1x16xf32> to vector<16xf32>
      %get3A_424 = arith.constant 26 : i32
      %get3A_425 = arith.index_cast %sub3A_145 : i32 to index
      %get3A_426 = arith.index_cast %get3A_424 : i32 to index
      %get3A_427 = arith.index_cast %mul3A_144 : i32 to index
      %get3A_428 = tpu.vector_load %arg6[%get3A_425, %get3A_426, %get3A_427] {strides = array<i32>} : memref<7x30x64xf32, #tpu.memory_space<vmem>>, vector<1x1x16xf32>,
      %get3A_429 = vector.shape_cast %get3A_428 : vector<1x1x16xf32> to vector<16xf32>
      %sub3A_430 = arith.subf %get3A_423, %get3A_429 : vector<16xf32>
      %mul3A_431 = arith.mulf %sub3A_430, %sub3A_430 : vector<16xf32>
      %add3A_432 = arith.addf %add3A_417, %mul3A_431 : vector<16xf32>
      %get3A_433 = arith.constant 27 : i32
      %get3A_434 = arith.index_cast %sub3A_145 : i32 to index
      %get3A_435 = arith.index_cast %get3A_433 : i32 to index
      %get3A_436 = arith.index_cast %mul3A_144 : i32 to index
      %get3A_437 = tpu.vector_load %arg5[%get3A_434, %get3A_435, %get3A_436] {strides = array<i32>} : memref<7x30x64xf32, #tpu.memory_space<vmem>>, vector<1x1x16xf32>,
      %get3A_438 = vector.shape_cast %get3A_437 : vector<1x1x16xf32> to vector<16xf32>
      %get3A_439 = arith.constant 27 : i32
      %get3A_440 = arith.index_cast %sub3A_145 : i32 to index
      %get3A_441 = arith.index_cast %get3A_439 : i32 to index
      %get3A_442 = arith.index_cast %mul3A_144 : i32 to index
      %get3A_443 = tpu.vector_load %arg6[%get3A_440, %get3A_441, %get3A_442] {strides = array<i32>} : memref<7x30x64xf32, #tpu.memory_space<vmem>>, vector<1x1x16xf32>,
      %get3A_444 = vector.shape_cast %get3A_443 : vector<1x1x16xf32> to vector<16xf32>
      %sub3A_445 = arith.subf %get3A_438, %get3A_444 : vector<16xf32>
      %mul3A_446 = arith.mulf %sub3A_445, %sub3A_445 : vector<16xf32>
      %add3A_447 = arith.addf %add3A_432, %mul3A_446 : vector<16xf32>
      %get3A_448 = arith.constant 28 : i32
      %get3A_449 = arith.index_cast %sub3A_145 : i32 to index
      %get3A_450 = arith.index_cast %get3A_448 : i32 to index
      %get3A_451 = arith.index_cast %mul3A_144 : i32 to index
      %get3A_452 = tpu.vector_load %arg5[%get3A_449, %get3A_450, %get3A_451] {strides = array<i32>} : memref<7x30x64xf32, #tpu.memory_space<vmem>>, vector<1x1x16xf32>,
      %get3A_453 = vector.shape_cast %get3A_452 : vector<1x1x16xf32> to vector<16xf32>
      %get3A_454 = arith.constant 28 : i32
      %get3A_455 = arith.index_cast %sub3A_145 : i32 to index
      %get3A_456 = arith.index_cast %get3A_454 : i32 to index
      %get3A_457 = arith.index_cast %mul3A_144 : i32 to index
      %get3A_458 = tpu.vector_load %arg6[%get3A_455, %get3A_456, %get3A_457] {strides = array<i32>} : memref<7x30x64xf32, #tpu.memory_space<vmem>>, vector<1x1x16xf32>,
      %get3A_459 = vector.shape_cast %get3A_458 : vector<1x1x16xf32> to vector<16xf32>
      %sub3A_460 = arith.subf %get3A_453, %get3A_459 : vector<16xf32>
      %mul3A_461 = arith.mulf %sub3A_460, %sub3A_460 : vector<16xf32>
      %add3A_462 = arith.addf %add3A_447, %mul3A_461 : vector<16xf32>
      %get3A_463 = arith.constant 29 : i32
      %get3A_464 = arith.index_cast %sub3A_145 : i32 to index
      %get3A_465 = arith.index_cast %get3A_463 : i32 to index
      %get3A_466 = arith.index_cast %mul3A_144 : i32 to index
      %get3A_467 = tpu.vector_load %arg5[%get3A_464, %get3A_465, %get3A_466] {strides = array<i32>} : memref<7x30x64xf32, #tpu.memory_space<vmem>>, vector<1x1x16xf32>,
      %get3A_468 = vector.shape_cast %get3A_467 : vector<1x1x16xf32> to vector<16xf32>
      %get3A_469 = arith.constant 29 : i32
      %get3A_470 = arith.index_cast %sub3A_145 : i32 to index
      %get3A_471 = arith.index_cast %get3A_469 : i32 to index
      %get3A_472 = arith.index_cast %mul3A_144 : i32 to index
      %get3A_473 = tpu.vector_load %arg6[%get3A_470, %get3A_471, %get3A_472] {strides = array<i32>} : memref<7x30x64xf32, #tpu.memory_space<vmem>>, vector<1x1x16xf32>,
      %get3A_474 = vector.shape_cast %get3A_473 : vector<1x1x16xf32> to vector<16xf32>
      %sub3A_475 = arith.subf %get3A_468, %get3A_474 : vector<16xf32>
      %mul3A_476 = arith.mulf %sub3A_475, %sub3A_475 : vector<16xf32>
      %add3A_477 = arith.addf %add3A_462, %mul3A_476 : vector<16xf32>
      %get3A_478 = arith.constant 0 : i32
      %get3A_479 = arith.index_cast %sub3A_145 : i32 to index
      %get3A_480 = arith.index_cast %get3A_478 : i32 to index
      %get3A_481 = arith.index_cast %mul3A_144 : i32 to index
      %get3A_482 = tpu.vector_load %arg5[%get3A_479, %get3A_480, %get3A_481] {strides = array<i32>} : memref<7x30x64xf32, #tpu.memory_space<vmem>>, vector<1x1x16xf32>,
      %get3A_483 = vector.shape_cast %get3A_482 : vector<1x1x16xf32> to vector<16xf32>
      %get3A_484 = arith.constant 1 : i32
      %get3A_485 = arith.index_cast %sub3A_145 : i32 to index
      %get3A_486 = arith.index_cast %get3A_484 : i32 to index
      %get3A_487 = arith.index_cast %mul3A_144 : i32 to index
      %get3A_488 = tpu.vector_load %arg5[%get3A_485, %get3A_486, %get3A_487] {strides = array<i32>} : memref<7x30x64xf32, #tpu.memory_space<vmem>>, vector<1x1x16xf32>,
      %get3A_489 = vector.shape_cast %get3A_488 : vector<1x1x16xf32> to vector<16xf32>
      %get3A_490 = arith.constant 2 : i32
      %get3A_491 = arith.index_cast %sub3A_145 : i32 to index
      %get3A_492 = arith.index_cast %get3A_490 : i32 to index
      %get3A_493 = arith.index_cast %mul3A_144 : i32 to index
      %get3A_494 = tpu.vector_load %arg5[%get3A_491, %get3A_492, %get3A_493] {strides = array<i32>} : memref<7x30x64xf32, #tpu.memory_space<vmem>>, vector<1x1x16xf32>,
      %get3A_495 = vector.shape_cast %get3A_494 : vector<1x1x16xf32> to vector<16xf32>
      %get3A_496 = arith.constant 3 : i32
      %get3A_497 = arith.index_cast %sub3A_145 : i32 to index
      %get3A_498 = arith.index_cast %get3A_496 : i32 to index
      %get3A_499 = arith.index_cast %mul3A_144 : i32 to index
      %get3A_500 = tpu.vector_load %arg5[%get3A_497, %get3A_498, %get3A_499] {strides = array<i32>} : memref<7x30x64xf32, #tpu.memory_space<vmem>>, vector<1x1x16xf32>,
      %get3A_501 = vector.shape_cast %get3A_500 : vector<1x1x16xf32> to vector<16xf32>
      %get3A_502 = arith.constant 5 : i32
      %get3A_503 = arith.index_cast %sub3A_145 : i32 to index
      %get3A_504 = arith.index_cast %get3A_502 : i32 to index
      %get3A_505 = arith.index_cast %mul3A_144 : i32 to index
      %get3A_506 = tpu.vector_load %arg5[%get3A_503, %get3A_504, %get3A_505] {strides = array<i32>} : memref<7x30x64xf32, #tpu.memory_space<vmem>>, vector<1x1x16xf32>,
      %get3A_507 = vector.shape_cast %get3A_506 : vector<1x1x16xf32> to vector<16xf32>
      %get3A_508 = arith.constant 6 : i32
      %get3A_509 = arith.index_cast %sub3A_145 : i32 to index
      %get3A_510 = arith.index_cast %get3A_508 : i32 to index
      %get3A_511 = arith.index_cast %mul3A_144 : i32 to index
      %get3A_512 = tpu.vector_load %arg5[%get3A_509, %get3A_510, %get3A_511] {strides = array<i32>} : memref<7x30x64xf32, #tpu.memory_space<vmem>>, vector<1x1x16xf32>,
      %get3A_513 = vector.shape_cast %get3A_512 : vector<1x1x16xf32> to vector<16xf32>
      %get3A_514 = arith.constant 7 : i32
      %get3A_515 = arith.index_cast %sub3A_145 : i32 to index
      %get3A_516 = arith.index_cast %get3A_514 : i32 to index
      %get3A_517 = arith.index_cast %mul3A_144 : i32 to index
      %get3A_518 = tpu.vector_load %arg5[%get3A_515, %get3A_516, %get3A_517] {strides = array<i32>} : memref<7x30x64xf32, #tpu.memory_space<vmem>>, vector<1x1x16xf32>,
      %get3A_519 = vector.shape_cast %get3A_518 : vector<1x1x16xf32> to vector<16xf32>
      %get3A_520 = arith.constant 8 : i32
      %get3A_521 = arith.index_cast %sub3A_145 : i32 to index
      %get3A_522 = arith.index_cast %get3A_520 : i32 to index
      %get3A_523 = arith.index_cast %mul3A_144 : i32 to index
      %get3A_524 = tpu.vector_load %arg5[%get3A_521, %get3A_522, %get3A_523] {strides = array<i32>} : memref<7x30x64xf32, #tpu.memory_space<vmem>>, vector<1x1x16xf32>,
      %get3A_525 = vector.shape_cast %get3A_524 : vector<1x1x16xf32> to vector<16xf32>
      %get3A_526 = arith.constant 0 : i32
      %get3A_527 = arith.index_cast %sub3A_145 : i32 to index
      %get3A_528 = arith.index_cast %get3A_526 : i32 to index
      %get3A_529 = arith.index_cast %mul3A_144 : i32 to index
      %get3A_530 = tpu.vector_load %arg6[%get3A_527, %get3A_528, %get3A_529] {strides = array<i32>} : memref<7x30x64xf32, #tpu.memory_space<vmem>>, vector<1x1x16xf32>,
      %get3A_531 = vector.shape_cast %get3A_530 : vector<1x1x16xf32> to vector<16xf32>
      %get3A_532 = arith.constant 1 : i32
      %get3A_533 = arith.index_cast %sub3A_145 : i32 to index
      %get3A_534 = arith.index_cast %get3A_532 : i32 to index
      %get3A_535 = arith.index_cast %mul3A_144 : i32 to index
      %get3A_536 = tpu.vector_load %arg6[%get3A_533, %get3A_534, %get3A_535] {strides = array<i32>} : memref<7x30x64xf32, #tpu.memory_space<vmem>>, vector<1x1x16xf32>,
      %get3A_537 = vector.shape_cast %get3A_536 : vector<1x1x16xf32> to vector<16xf32>
      %get3A_538 = arith.constant 2 : i32
      %get3A_539 = arith.index_cast %sub3A_145 : i32 to index
      %get3A_540 = arith.index_cast %get3A_538 : i32 to index
      %get3A_541 = arith.index_cast %mul3A_144 : i32 to index
      %get3A_542 = tpu.vector_load %arg6[%get3A_539, %get3A_540, %get3A_541] {strides = array<i32>} : memref<7x30x64xf32, #tpu.memory_space<vmem>>, vector<1x1x16xf32>,
      %get3A_543 = vector.shape_cast %get3A_542 : vector<1x1x16xf32> to vector<16xf32>
      %get3A_544 = arith.constant 3 : i32
      %get3A_545 = arith.index_cast %sub3A_145 : i32 to index
      %get3A_546 = arith.index_cast %get3A_544 : i32 to index
      %get3A_547 = arith.index_cast %mul3A_144 : i32 to index
      %get3A_548 = tpu.vector_load %arg6[%get3A_545, %get3A_546, %get3A_547] {strides = array<i32>} : memref<7x30x64xf32, #tpu.memory_space<vmem>>, vector<1x1x16xf32>,
      %get3A_549 = vector.shape_cast %get3A_548 : vector<1x1x16xf32> to vector<16xf32>
      %get3A_550 = arith.constant 5 : i32
      %get3A_551 = arith.index_cast %sub3A_145 : i32 to index
      %get3A_552 = arith.index_cast %get3A_550 : i32 to index
      %get3A_553 = arith.index_cast %mul3A_144 : i32 to index
      %get3A_554 = tpu.vector_load %arg6[%get3A_551, %get3A_552, %get3A_553] {strides = array<i32>} : memref<7x30x64xf32, #tpu.memory_space<vmem>>, vector<1x1x16xf32>,
      %get3A_555 = vector.shape_cast %get3A_554 : vector<1x1x16xf32> to vector<16xf32>
      %get3A_556 = arith.constant 6 : i32
      %get3A_557 = arith.index_cast %sub3A_145 : i32 to index
      %get3A_558 = arith.index_cast %get3A_556 : i32 to index
      %get3A_559 = arith.index_cast %mul3A_144 : i32 to index
      %get3A_560 = tpu.vector_load %arg6[%get3A_557, %get3A_558, %get3A_559] {strides = array<i32>} : memref<7x30x64xf32, #tpu.memory_space<vmem>>, vector<1x1x16xf32>,
      %get3A_561 = vector.shape_cast %get3A_560 : vector<1x1x16xf32> to vector<16xf32>
      %get3A_562 = arith.constant 7 : i32
      %get3A_563 = arith.index_cast %sub3A_145 : i32 to index
      %get3A_564 = arith.index_cast %get3A_562 : i32 to index
      %get3A_565 = arith.index_cast %mul3A_144 : i32 to index
      %get3A_566 = tpu.vector_load %arg6[%get3A_563, %get3A_564, %get3A_565] {strides = array<i32>} : memref<7x30x64xf32, #tpu.memory_space<vmem>>, vector<1x1x16xf32>,
      %get3A_567 = vector.shape_cast %get3A_566 : vector<1x1x16xf32> to vector<16xf32>
      %get3A_568 = arith.constant 8 : i32
      %get3A_569 = arith.index_cast %sub3A_145 : i32 to index
      %get3A_570 = arith.index_cast %get3A_568 : i32 to index
      %get3A_571 = arith.index_cast %mul3A_144 : i32 to index
      %get3A_572 = tpu.vector_load %arg6[%get3A_569, %get3A_570, %get3A_571] {strides = array<i32>} : memref<7x30x64xf32, #tpu.memory_space<vmem>>, vector<1x1x16xf32>,
      %get3A_573 = vector.shape_cast %get3A_572 : vector<1x1x16xf32> to vector<16xf32>
      %mul3A_574 = arith.constant 0.0714285746 : f32
      %mul3A_575 = vector.broadcast %mul3A_574 : f32 to vector<16xf32>
      %mul3A_576 = arith.mulf %get3A_531, %mul3A_575 : vector<16xf32>
      %mul3A_577 = arith.constant 5.000000e-01 : f32
      %mul3A_578 = vector.broadcast %mul3A_577 : f32 to vector<16xf32>
      %mul3A_579 = arith.mulf %mul3A_578, %get3A_543 : vector<16xf32>
      %sub3A_580 = arith.subf %mul3A_576, %mul3A_579 : vector<16xf32>
      %mul3A_581 = arith.constant 0.0714285746 : f32
      %mul3A_582 = vector.broadcast %mul3A_581 : f32 to vector<16xf32>
      %mul3A_583 = arith.mulf %get3A_531, %mul3A_582 : vector<16xf32>
      %mul3A_584 = arith.constant 5.000000e-01 : f32
      %mul3A_585 = vector.broadcast %mul3A_584 : f32 to vector<16xf32>
      %mul3A_586 = arith.mulf %mul3A_585, %get3A_543 : vector<16xf32>
      %add3A_587 = arith.addf %mul3A_583, %mul3A_586 : vector<16xf32>
      %mul3A_588 = arith.constant 0.0714285746 : f32
      %mul3A_589 = vector.broadcast %mul3A_588 : f32 to vector<16xf32>
      %mul3A_590 = arith.mulf %get3A_537, %mul3A_589 : vector<16xf32>
      %mul3A_591 = arith.constant 5.000000e-01 : f32
      %mul3A_592 = vector.broadcast %mul3A_591 : f32 to vector<16xf32>
      %mul3A_593 = arith.mulf %mul3A_592, %get3A_549 : vector<16xf32>
      %sub3A_594 = arith.subf %mul3A_590, %mul3A_593 : vector<16xf32>
      %mul3A_595 = arith.constant 0.0714285746 : f32
      %mul3A_596 = vector.broadcast %mul3A_595 : f32 to vector<16xf32>
      %mul3A_597 = arith.mulf %get3A_537, %mul3A_596 : vector<16xf32>
      %mul3A_598 = arith.constant 5.000000e-01 : f32
      %mul3A_599 = vector.broadcast %mul3A_598 : f32 to vector<16xf32>
      %mul3A_600 = arith.mulf %mul3A_599, %get3A_549 : vector<16xf32>
      %add3A_601 = arith.addf %mul3A_597, %mul3A_600 : vector<16xf32>
      %sub3A_602 = arith.subf %add3A_587, %sub3A_580 : vector<16xf32>
      %sub3A_603 = arith.subf %add3A_601, %sub3A_594 : vector<16xf32>
      %mul3A_604 = arith.mulf %sub3A_602, %sub3A_603 : vector<16xf32>
      %mul3A_605 = arith.constant 0.0714285746 : f32
      %mul3A_606 = vector.broadcast %mul3A_605 : f32 to vector<16xf32>
      %mul3A_607 = arith.mulf %get3A_483, %mul3A_606 : vector<16xf32>
      %mul3A_608 = arith.constant 5.000000e-01 : f32
      %mul3A_609 = vector.broadcast %mul3A_608 : f32 to vector<16xf32>
      %mul3A_610 = arith.mulf %mul3A_609, %get3A_495 : vector<16xf32>
      %sub3A_611 = arith.subf %mul3A_607, %mul3A_610 : vector<16xf32>
      %mul3A_612 = arith.constant 0.0714285746 : f32
      %mul3A_613 = vector.broadcast %mul3A_612 : f32 to vector<16xf32>
      %mul3A_614 = arith.mulf %get3A_483, %mul3A_613 : vector<16xf32>
      %mul3A_615 = arith.constant 5.000000e-01 : f32
      %mul3A_616 = vector.broadcast %mul3A_615 : f32 to vector<16xf32>
      %mul3A_617 = arith.mulf %mul3A_616, %get3A_495 : vector<16xf32>
      %add3A_618 = arith.addf %mul3A_614, %mul3A_617 : vector<16xf32>
      %mul3A_619 = arith.constant 0.0714285746 : f32
      %mul3A_620 = vector.broadcast %mul3A_619 : f32 to vector<16xf32>
      %mul3A_621 = arith.mulf %get3A_489, %mul3A_620 : vector<16xf32>
      %mul3A_622 = arith.constant 5.000000e-01 : f32
      %mul3A_623 = vector.broadcast %mul3A_622 : f32 to vector<16xf32>
      %mul3A_624 = arith.mulf %mul3A_623, %get3A_501 : vector<16xf32>
      %sub3A_625 = arith.subf %mul3A_621, %mul3A_624 : vector<16xf32>
      %mul3A_626 = arith.constant 0.0714285746 : f32
      %mul3A_627 = vector.broadcast %mul3A_626 : f32 to vector<16xf32>
      %mul3A_628 = arith.mulf %get3A_489, %mul3A_627 : vector<16xf32>
      %mul3A_629 = arith.constant 5.000000e-01 : f32
      %mul3A_630 = vector.broadcast %mul3A_629 : f32 to vector<16xf32>
      %mul3A_631 = arith.mulf %mul3A_630, %get3A_501 : vector<16xf32>
      %add3A_632 = arith.addf %mul3A_628, %mul3A_631 : vector<16xf32>
      %min3A_633 = arith.minimumf %add3A_618, %add3A_587 : vector<16xf32>
      %max3A = arith.maximumf %sub3A_611, %sub3A_580 : vector<16xf32>
      %sub3A_634 = arith.subf %min3A_633, %max3A : vector<16xf32>
      %max3A_635 = arith.constant 0.000000e+00 : f32
      %max3A_636 = vector.broadcast %max3A_635 : f32 to vector<16xf32>
      %max3A_637 = arith.maximumf %sub3A_634, %max3A_636 : vector<16xf32>
      %min3A_638 = arith.minimumf %add3A_632, %add3A_601 : vector<16xf32>
      %max3A_639 = arith.maximumf %sub3A_625, %sub3A_594 : vector<16xf32>
      %sub3A_640 = arith.subf %min3A_638, %max3A_639 : vector<16xf32>
      %max3A_641 = arith.constant 0.000000e+00 : f32
      %max3A_642 = vector.broadcast %max3A_641 : f32 to vector<16xf32>
      %max3A_643 = arith.maximumf %sub3A_640, %max3A_642 : vector<16xf32>
      %mul3A_644 = arith.mulf %max3A_637, %max3A_643 : vector<16xf32>
      %sub3A_645 = arith.subf %add3A_618, %sub3A_611 : vector<16xf32>
      %sub3A_646 = arith.subf %add3A_632, %sub3A_625 : vector<16xf32>
      %mul3A_647 = arith.mulf %sub3A_645, %sub3A_646 : vector<16xf32>
      %add3A_648 = arith.addf %mul3A_647, %mul3A_604 : vector<16xf32>
      %sub3A_649 = arith.subf %add3A_648, %mul3A_644 : vector<16xf32>
      %mul3A_650 = arith.constant 0.0714285746 : f32
      %mul3A_651 = vector.broadcast %mul3A_650 : f32 to vector<16xf32>
      %mul3A_652 = arith.mulf %get3A_507, %mul3A_651 : vector<16xf32>
      %mul3A_653 = arith.constant 5.000000e-01 : f32
      %mul3A_654 = vector.broadcast %mul3A_653 : f32 to vector<16xf32>
      %mul3A_655 = arith.mulf %mul3A_654, %get3A_519 : vector<16xf32>
      %sub3A_656 = arith.subf %mul3A_652, %mul3A_655 : vector<16xf32>
      %mul3A_657 = arith.constant 0.0714285746 : f32
      %mul3A_658 = vector.broadcast %mul3A_657 : f32 to vector<16xf32>
      %mul3A_659 = arith.mulf %get3A_507, %mul3A_658 : vector<16xf32>
      %mul3A_660 = arith.constant 5.000000e-01 : f32
      %mul3A_661 = vector.broadcast %mul3A_660 : f32 to vector<16xf32>
      %mul3A_662 = arith.mulf %mul3A_661, %get3A_519 : vector<16xf32>
      %add3A_663 = arith.addf %mul3A_659, %mul3A_662 : vector<16xf32>
      %mul3A_664 = arith.constant 0.0714285746 : f32
      %mul3A_665 = vector.broadcast %mul3A_664 : f32 to vector<16xf32>
      %mul3A_666 = arith.mulf %get3A_513, %mul3A_665 : vector<16xf32>
      %mul3A_667 = arith.constant 5.000000e-01 : f32
      %mul3A_668 = vector.broadcast %mul3A_667 : f32 to vector<16xf32>
      %mul3A_669 = arith.mulf %mul3A_668, %get3A_525 : vector<16xf32>
      %sub3A_670 = arith.subf %mul3A_666, %mul3A_669 : vector<16xf32>
      %mul3A_671 = arith.constant 0.0714285746 : f32
      %mul3A_672 = vector.broadcast %mul3A_671 : f32 to vector<16xf32>
      %mul3A_673 = arith.mulf %get3A_513, %mul3A_672 : vector<16xf32>
      %mul3A_674 = arith.constant 5.000000e-01 : f32
      %mul3A_675 = vector.broadcast %mul3A_674 : f32 to vector<16xf32>
      %mul3A_676 = arith.mulf %mul3A_675, %get3A_525 : vector<16xf32>
      %add3A_677 = arith.addf %mul3A_673, %mul3A_676 : vector<16xf32>
      %min3A_678 = arith.minimumf %add3A_663, %add3A_587 : vector<16xf32>
      %max3A_679 = arith.maximumf %sub3A_656, %sub3A_580 : vector<16xf32>
      %sub3A_680 = arith.subf %min3A_678, %max3A_679 : vector<16xf32>
      %max3A_681 = arith.constant 0.000000e+00 : f32
      %max3A_682 = vector.broadcast %max3A_681 : f32 to vector<16xf32>
      %max3A_683 = arith.maximumf %sub3A_680, %max3A_682 : vector<16xf32>
      %min3A_684 = arith.minimumf %add3A_677, %add3A_601 : vector<16xf32>
      %max3A_685 = arith.maximumf %sub3A_670, %sub3A_594 : vector<16xf32>
      %sub3A_686 = arith.subf %min3A_684, %max3A_685 : vector<16xf32>
      %max3A_687 = arith.constant 0.000000e+00 : f32
      %max3A_688 = vector.broadcast %max3A_687 : f32 to vector<16xf32>
      %max3A_689 = arith.maximumf %sub3A_686, %max3A_688 : vector<16xf32>
      %mul3A_690 = arith.mulf %max3A_683, %max3A_689 : vector<16xf32>
      %sub3A_691 = arith.subf %add3A_663, %sub3A_656 : vector<16xf32>
      %sub3A_692 = arith.subf %add3A_677, %sub3A_670 : vector<16xf32>
      %mul3A_693 = arith.mulf %sub3A_691, %sub3A_692 : vector<16xf32>
      %add3A_694 = arith.addf %mul3A_693, %mul3A_604 : vector<16xf32>
      %sub3A_695 = arith.subf %add3A_694, %mul3A_690 : vector<16xf32>
      %mul3A_696 = arith.mulf %mul3A_644, %sub3A_695 : vector<16xf32>
      %mul3A_697 = arith.mulf %mul3A_690, %sub3A_649 : vector<16xf32>
      %ge3A = arith.cmpf oge, %mul3A_696, %mul3A_697 : vector<16xf32>
      %select_n3A_698 = arith.select %ge3A, %get3A_483, %get3A_507 : vector<16xi1>, vector<16xf32>
      %select_n3A_699 = arith.select %ge3A, %get3A_489, %get3A_513 : vector<16xi1>, vector<16xf32>
      %select_n3A_700 = arith.select %ge3A, %get3A_495, %get3A_519 : vector<16xi1>, vector<16xf32>
      %select_n3A_701 = arith.select %ge3A, %get3A_501, %get3A_525 : vector<16xi1>, vector<16xf32>
      %select_n3A_702 = arith.select %ge3A, %get3A_161, %get3A_167 : vector<16xi1>, vector<16xf32>
      %select_n3A_703 = arith.select %ge3A, %get3A_167, %get3A_161 : vector<16xi1>, vector<16xf32>
      %select_n3A_704 = arith.select %ge3A, %get3A_531, %get3A_555 : vector<16xi1>, vector<16xf32>
      %select_n3A_705 = arith.select %ge3A, %get3A_537, %get3A_561 : vector<16xi1>, vector<16xf32>
      %select_n3A_706 = arith.select %ge3A, %get3A_543, %get3A_567 : vector<16xi1>, vector<16xf32>
      %select_n3A_707 = arith.select %ge3A, %get3A_549, %get3A_573 : vector<16xi1>, vector<16xf32>
      %sub3A_708 = arith.subf %select_n3A_698, %select_n3A_704 : vector<16xf32>
      %sub3A_709 = arith.subf %select_n3A_699, %select_n3A_705 : vector<16xf32>
      %add3A_710 = arith.addf %select_n3A_700, %select_n3A_706 : vector<16xf32>
      %mul3A_711 = arith.mulf %select_n3A_700, %select_n3A_706 : vector<16xf32>
      %bitcast_convert_type3A = tpu.bitcast %mul3A_711 : vector<16xf32> -> vector<16xi32>
      %shift_right_arithmetic3A = arith.constant 1 : i32
      %shift_right_arithmetic3A_712 = vector.broadcast %shift_right_arithmetic3A : i32 to vector<16xi32>
      %shift_right_arithmetic3A_713 = arith.shrsi %bitcast_convert_type3A, %shift_right_arithmetic3A_712 : vector<16xi32>
      %sub3A_714 = arith.constant 1597463007 : i32
      %sub3A_715 = vector.broadcast %sub3A_714 : i32 to vector<16xi32>
      %sub3A_716 = arith.subi %sub3A_715, %shift_right_arithmetic3A_713 : vector<16xi32>
      %bitcast_convert_type3A_717 = tpu.bitcast %sub3A_716 : vector<16xi32> -> vector<16xf32>
      %mul3A_718 = arith.constant 5.000000e-01 : f32
      %mul3A_719 = vector.broadcast %mul3A_718 : f32 to vector<16xf32>
      %mul3A_720 = arith.mulf %mul3A_719, %mul3A_711 : vector<16xf32>
      %mul3A_721 = arith.mulf %mul3A_720, %bitcast_convert_type3A_717 : vector<16xf32>
      %mul3A_722 = arith.mulf %mul3A_721, %bitcast_convert_type3A_717 : vector<16xf32>
      %sub3A_723 = arith.constant 1.500000e+00 : f32
      %sub3A_724 = vector.broadcast %sub3A_723 : f32 to vector<16xf32>
      %sub3A_725 = arith.subf %sub3A_724, %mul3A_722 : vector<16xf32>
      %mul3A_726 = arith.mulf %bitcast_convert_type3A_717, %sub3A_725 : vector<16xf32>
      %mul3A_727 = arith.mulf %mul3A_720, %mul3A_726 : vector<16xf32>
      %mul3A_728 = arith.mulf %mul3A_727, %mul3A_726 : vector<16xf32>
      %sub3A_729 = arith.constant 1.500000e+00 : f32
      %sub3A_730 = vector.broadcast %sub3A_729 : f32 to vector<16xf32>
      %sub3A_731 = arith.subf %sub3A_730, %mul3A_728 : vector<16xf32>
      %mul3A_732 = arith.mulf %mul3A_726, %sub3A_731 : vector<16xf32>
      %mul3A_733 = arith.mulf %mul3A_720, %mul3A_732 : vector<16xf32>
      %mul3A_734 = arith.mulf %mul3A_733, %mul3A_732 : vector<16xf32>
      %sub3A_735 = arith.constant 1.500000e+00 : f32
      %sub3A_736 = vector.broadcast %sub3A_735 : f32 to vector<16xf32>
      %sub3A_737 = arith.subf %sub3A_736, %mul3A_734 : vector<16xf32>
      %mul3A_738 = arith.mulf %mul3A_732, %sub3A_737 : vector<16xf32>
      %mul3A_739 = arith.mulf %mul3A_711, %mul3A_738 : vector<16xf32>
      %mul3A_740 = arith.constant 2.000000e+00 : f32
      %mul3A_741 = vector.broadcast %mul3A_740 : f32 to vector<16xf32>
      %mul3A_742 = arith.mulf %mul3A_741, %mul3A_739 : vector<16xf32>
      %sub3A_743 = arith.subf %add3A_710, %mul3A_742 : vector<16xf32>
      %add3A_744 = arith.addf %sub3A_743, %select_n3A_701 : vector<16xf32>
      %add3A_745 = arith.addf %add3A_744, %select_n3A_707 : vector<16xf32>
      %mul3A_746 = arith.mulf %select_n3A_701, %select_n3A_707 : vector<16xf32>
      %bitcast_convert_type3A_747 = tpu.bitcast %mul3A_746 : vector<16xf32> -> vector<16xi32>
      %shift_right_arithmetic3A_748 = arith.constant 1 : i32
      %shift_right_arithmetic3A_749 = vector.broadcast %shift_right_arithmetic3A_748 : i32 to vector<16xi32>
      %shift_right_arithmetic3A_750 = arith.shrsi %bitcast_convert_type3A_747, %shift_right_arithmetic3A_749 : vector<16xi32>
      %sub3A_751 = arith.constant 1597463007 : i32
      %sub3A_752 = vector.broadcast %sub3A_751 : i32 to vector<16xi32>
      %sub3A_753 = arith.subi %sub3A_752, %shift_right_arithmetic3A_750 : vector<16xi32>
      %bitcast_convert_type3A_754 = tpu.bitcast %sub3A_753 : vector<16xi32> -> vector<16xf32>
      %mul3A_755 = arith.constant 5.000000e-01 : f32
      %mul3A_756 = vector.broadcast %mul3A_755 : f32 to vector<16xf32>
      %mul3A_757 = arith.mulf %mul3A_756, %mul3A_746 : vector<16xf32>
      %mul3A_758 = arith.mulf %mul3A_757, %bitcast_convert_type3A_754 : vector<16xf32>
      %mul3A_759 = arith.mulf %mul3A_758, %bitcast_convert_type3A_754 : vector<16xf32>
      %sub3A_760 = arith.constant 1.500000e+00 : f32
      %sub3A_761 = vector.broadcast %sub3A_760 : f32 to vector<16xf32>
      %sub3A_762 = arith.subf %sub3A_761, %mul3A_759 : vector<16xf32>
      %mul3A_763 = arith.mulf %bitcast_convert_type3A_754, %sub3A_762 : vector<16xf32>
      %mul3A_764 = arith.mulf %mul3A_757, %mul3A_763 : vector<16xf32>
      %mul3A_765 = arith.mulf %mul3A_764, %mul3A_763 : vector<16xf32>
      %sub3A_766 = arith.constant 1.500000e+00 : f32
      %sub3A_767 = vector.broadcast %sub3A_766 : f32 to vector<16xf32>
      %sub3A_768 = arith.subf %sub3A_767, %mul3A_765 : vector<16xf32>
      %mul3A_769 = arith.mulf %mul3A_763, %sub3A_768 : vector<16xf32>
      %mul3A_770 = arith.mulf %mul3A_757, %mul3A_769 : vector<16xf32>
      %mul3A_771 = arith.mulf %mul3A_770, %mul3A_769 : vector<16xf32>
      %sub3A_772 = arith.constant 1.500000e+00 : f32
      %sub3A_773 = vector.broadcast %sub3A_772 : f32 to vector<16xf32>
      %sub3A_774 = arith.subf %sub3A_773, %mul3A_771 : vector<16xf32>
      %mul3A_775 = arith.mulf %mul3A_769, %sub3A_774 : vector<16xf32>
      %mul3A_776 = arith.mulf %mul3A_746, %mul3A_775 : vector<16xf32>
      %mul3A_777 = arith.constant 2.000000e+00 : f32
      %mul3A_778 = vector.broadcast %mul3A_777 : f32 to vector<16xf32>
      %mul3A_779 = arith.mulf %mul3A_778, %mul3A_776 : vector<16xf32>
      %sub3A_780 = arith.subf %add3A_745, %mul3A_779 : vector<16xf32>
      %mul3A_781 = arith.mulf %sub3A_708, %sub3A_708 : vector<16xf32>
      %mul3A_782 = arith.mulf %sub3A_709, %sub3A_709 : vector<16xf32>
      %add3A_783 = arith.addf %mul3A_781, %mul3A_782 : vector<16xf32>
      %add3A_784 = arith.addf %add3A_783, %sub3A_780 : vector<16xf32>
      %mul3A_785 = arith.constant 5.000000e+00 : f32
      %mul3A_786 = vector.broadcast %mul3A_785 : f32 to vector<16xf32>
      %mul3A_787 = arith.mulf %mul3A_786, %add3A_784 : vector<16xf32>
      %mul3A_788 = arith.mulf %select_n3A_702, %select_n3A_702 : vector<16xf32>
      %mul3A_789 = arith.constant 2.000000e+00 : f32
      %mul3A_790 = vector.broadcast %mul3A_789 : f32 to vector<16xf32>
      %mul3A_791 = arith.mulf %mul3A_790, %mul3A_788 : vector<16xf32>
      %add3A_792 = arith.addf %mul3A_787, %mul3A_791 : vector<16xf32>
      %mul3A_793 = arith.mulf %select_n3A_703, %select_n3A_703 : vector<16xf32>
      %add3A_794 = arith.addf %add3A_792, %mul3A_793 : vector<16xf32>
      %add3A_795 = arith.addf %add3A_794, %add3A_477 : vector<16xf32>
      %jit3A_796 = arith.constant 0.000000e+00 : f32
      %broadcast_in_dim3A_797 = vector.broadcast %jit3A_796 : f32 to vector<16xf32>
      %select_n3A_798 = arith.select %gt3A_152, %add3A_795, %broadcast_in_dim3A_797 : vector<16xi1>, vector<16xf32>
      %mul3A_799 = arith.constant 5.000000e-01 : f32
      %mul3A_800 = vector.broadcast %mul3A_799 : f32 to vector<16xf32>
      %mul3A_801 = arith.mulf %mul3A_800, %add3A_178 : vector<16xf32>
      %jit3A_802 = arith.constant 0.000000e+00 : f32
      %broadcast_in_dim3A_803 = vector.broadcast %jit3A_802 : f32 to vector<16xf32>
      %select_n3A_804 = arith.select %eq3A_155, %mul3A_801, %broadcast_in_dim3A_803 : vector<16xi1>, vector<16xf32>
      %add3A_805 = arith.addf %select_n3A_798, %select_n3A_804 : vector<16xf32>
      %add3A_806 = arith.addf %while3A_108, %add3A_805 : vector<16xf32>
      scf.yield %add3A_806 : vector<16xf32>
    }
    %swap3A = arith.constant 0 : index
    %swap3A_104 = tpu.vector_load %arg7[%swap3A] {strides = array<i32>} : memref<16xf32, #tpu.memory_space<vmem>>, vector<16xf32>,
    %swap3A_105 = vector.shape_cast %swap3A_104 : vector<16xf32> to vector<16xf32>
    %swap3A_106 = vector.shape_cast %while3A_103 : vector<16xf32> to vector<16xf32>
    tpu.vector_store %arg7[%swap3A], %swap3A_106 {strides = array<i32>} : memref<16xf32, #tpu.memory_space<vmem>>, vector<16xf32>,
    "tpu.region"() ({
      %run_scoped3A = tpu.sem_alloc : memref<!tpu.dma_semaphore, #tpu.memory_space<semaphore_mem>>
      %dma_start3A_107 = arith.constant 0 : i32
      %dma_start3A_108 = tpu.memref_slice %arg4[%add3A, %dma_start3A_107] : memref<32x16xf32, #tpu.memory_space<hbm>> -> memref<1x16xf32, #tpu.memory_space<hbm>>
      %dma_start3A_109 = tpu.memref_squeeze %dma_start3A_108 : memref<1x16xf32, #tpu.memory_space<hbm>> -> memref<16xf32, #tpu.memory_space<hbm>>
      %dma_start3A_110 = arith.constant 0 : i32
      %dma_start3A_111 = tpu.memref_slice %arg4[%add3A, %dma_start3A_110] : memref<32x16xf32, #tpu.memory_space<hbm>> -> memref<1x16xf32, #tpu.memory_space<hbm>>
      %dma_start3A_112 = tpu.memref_squeeze %dma_start3A_111 : memref<1x16xf32, #tpu.memory_space<hbm>> -> memref<16xf32, #tpu.memory_space<hbm>>
      tpu.enqueue_dma source(%arg7 : memref<16xf32, #tpu.memory_space<vmem>>) target(%dma_start3A_112 : memref<16xf32, #tpu.memory_space<hbm>>) target_semaphore(%run_scoped3A : memref<!tpu.dma_semaphore, #tpu.memory_space<semaphore_mem>>)
      %dma_wait3A = arith.constant 0 : i32
      %dma_wait3A_113 = tpu.memref_slice %arg4[%add3A, %dma_wait3A] : memref<32x16xf32, #tpu.memory_space<hbm>> -> memref<1x16xf32, #tpu.memory_space<hbm>>
      %dma_wait3A_114 = tpu.memref_squeeze %dma_wait3A_113 : memref<1x16xf32, #tpu.memory_space<hbm>> -> memref<16xf32, #tpu.memory_space<hbm>>
      %dma_wait3A_115 = arith.constant 0 : i32
      %dma_wait3A_116 = tpu.memref_slice %arg4[%add3A, %dma_wait3A_115] : memref<32x16xf32, #tpu.memory_space<hbm>> -> memref<1x16xf32, #tpu.memory_space<hbm>>
      %dma_wait3A_117 = tpu.memref_squeeze %dma_wait3A_116 : memref<1x16xf32, #tpu.memory_space<hbm>> -> memref<16xf32, #tpu.memory_space<hbm>>
      tpu.wait_dma2 semaphore(%run_scoped3A : memref<!tpu.dma_semaphore, #tpu.memory_space<semaphore_mem>>) src(%arg7 : memref<16xf32, #tpu.memory_space<vmem>>) dst(%dma_wait3A_117 : memref<16xf32, #tpu.memory_space<hbm>>)
      tpu.yield
    }) : () -> ()
    return
  }
}

</mosaic_0001>

<sc_bundles>
// kernel: kernel.3.cloned.1.call-start
scs
__scs_entry_jumppad:
0x0: {  	(pc) =	sbr.rel $0x88, $3  }
0x1: {  	(tag) =	ssettag $0x0;
	lr =	simm.s32 $0x1  }
0x2: {  	[smem:$0x3F9F] =	sst lr;
	_ =	strace $0xD0000000  }
0x3: {  	_ = 	snop  }
0x4: {  	_ = 	snop  }
0x5: {  	_ = 	snop  }
0x6: {  	_ = 	snop  }
0x7: {  	_ = 	snop  }
__scs_overlays_trampoline_lowered:
0x8: {  	[smem:$0x3FAE] =	sst s0  }
0x9: {  	[smem:$0x3FAF] =	sst s1  }
0xa: {  	[smem:$0x3FB0] =	sst s2  }
0xb: {  	[smem:$0x3FB1] =	sst s3  }
0xc: {  	[smem:$0x3FB2] =	sst s4  }
0xd: {  	[smem:$0x3FB3] =	sst s5  }
0xe: {  	[smem:$0x3FB4] =	sst s6  }
0xf: {  	[smem:$0x3FB5] =	sst s7  }
0x10: {  	[smem:$0x3FB6] =	sst s8  }
0x11: {  	[smem:$0x3FB7] =	sst s9;
	s0 =	simm.s32 @!p0 $0x0  }
0x12: {  	s1 =	sld [smem:$0x3F9D];
	s0 =	simm.s32 @p0 $0x1  }
0x13: {  	[smem:$0x3FB8] =	sst s0;
	s0 =	simm.s32 @!p1 $0x0  }
0x14: {  	s2 =	sld [smem:$0x3F9C];
	s0 =	simm.s32 @p1 $0x1  }
0x15: {  	[smem:$0x3FB9] =	sst s0;
	s0 =	simm.s32 @!p2 $0x0  }
0x16: {  	s3 =	sld [smem:$0x3FDB];
	s0 =	simm.s32 @p2 $0x1  }
0x17: {  	s4 =	simm.s32 $0x1BF5;
	[smem:$0x3FBB] =	sst s0  }
0x18: {  	s0 =	sld [smem:$0x3F9E];
	_ =	swait.ge [sflag:s4], $0x0  }
0x19: {  	s7 =	sld [smem:$0x3F9F]  }
0x1a: {  	s8 =	sadd.s32 $0xFFFFE003, lr  }
0x1b: {  	s9 =	sadd.s32 $0xFFFFFEF7, lr;
	s5 =	simm.s32 $0xFFFFFFFF;
	p2 =	slt.u32 s8, $0xFFFFF086  }
0x1c: {  	p1 =	slt.u32 s9, $0xF7A;
	s5 =	simm.s32 @!p2 $0x0  }
0x1d: {  	s5 =	simm.s32 @p1 $0x1;
	p0 =	seq.s32 s7, s2  }
0x1e: {  	s7 =	smul.u32 @!p0 $0xF7A, s2;
	p2 =	seq.s32 @!p0 s5, $0x0  }
0x1f: {  	s9 =	smul.u32 $0xF7A, s1;
	s8 =	simm.s32 @!p0 $0x1BF5;
	p2 =	por !p2, p0  }
0x20: {  	[sflag:s8] =	ssyncset.s32 @!p0 $0xFFFFF086;
	s6 =	sadd.s32 @!p0 s3, s7;
	s7 =	simm.s32 @!p0 $0x108  }
0x21: {  	s3 =	sadd.s32 s3, s9;
	s6 =	sadd.s32 @!p0 $0x88, s6;
	s7 =	simm.s32 @p2 $0x1082  }
0x22: {  	[simem:s7], [sflag:s8] =	dma.local @!p0 [hbm:s6], $0xF7A  }
0x23: {  	s9 =	sor.u32 $0xD0000000, s2;
	s6 =	simm.s32 $0x108;
	_ =	swait.ge @!p0 [sflag:s8], $0x0  }
0x24: {  	s3 =	sadd.s32 $0x88, s3;
	s6 =	simm.s32 @!p1 $0x1082;
	[sflag:s4] =	ssyncset.s32 $0xFFFFF086  }
0x25: {  	[simem:s6], [sflag:s4] =	dma.local [hbm:s3], $0xF7A  }
0x26: {  	[smem:$0x3F9F] =	sst s1;
	(tag) =	ssettag s2;
	_ =	strace s9  }
0x27: {  	s1 =	sld [smem:$0x3FAF]  }
0x28: {  	s2 =	sld [smem:$0x3FB0]  }
0x29: {  	s4 =	sld [smem:$0x3FB2]  }
0x2a: {  	p0 =	seq.s32 s5, $0x0;
	s5 =	sld [smem:$0x3FB3]  }
0x2b: {  	s6 =	sld [smem:$0x3FB4]  }
0x2c: {  	s7 =	sld [smem:$0x3FB5]  }
0x2d: {  	s3 =	simm.s32 $0x108;
	s8 =	sld [smem:$0x3FB6]  }
0x2e: {  	s3 =	simm.s32 @!p0 $0x1082;
	s9 =	sld [smem:$0x3FB7]  }
0x2f: {  	lr =	sadd.s32 s0, s3;
	s0 =	sld [smem:$0x3FAE]  }
0x30: {  	s3 =	sld [smem:$0x3FB1]  }
0x31: {  	[smem:$0x3FBA] =	sst s10  }
0x32: {  	s10 =	sld [smem:$0x3FB8];
	_ =	sdelay $0x3  }
0x33: {  	p0 =	seq.s32 s10, $0x1;
	s10 =	sld [smem:$0x3FBA];
	_ =	sdelay $0x3  }
0x34: {  	[smem:$0x3FBA] =	sst s10  }
0x35: {  	s10 =	sld [smem:$0x3FB9];
	_ =	sdelay $0x3  }
0x36: {  	p1 =	seq.s32 s10, $0x1;
	s10 =	sld [smem:$0x3FBA];
	_ =	sdelay $0x3  }
0x37: {  	[smem:$0x3FBA] =	sst s10  }
0x38: {  	s10 =	sld [smem:$0x3FBB]  }
0x39: {  	_ = 	snop;
	(pc) =	sbr.ind lr, $3  }
0x3a: {  	_ = 	snop  }
0x3b: {  	_ = 	snop  }
0x3c: {  	p2 =	seq.s32 s10, $0x1;
	s10 =	sld [smem:$0x3FBA]  }
0x3d: {  	_ =	shalt  }
0x3e: {  	_ =	shalt  }
0x3f: {  	_ =	shalt  }
0x40: {  	_ =	shalt  }
0x41: {  	_ =	shalt  }
0x42: {  	_ =	shalt  }
0x43: {  	_ =	shalt  }
0x44: {  	_ =	shalt  }
0x45: {  	_ =	shalt  }
0x46: {  	_ =	shalt  }
0x47: {  	_ =	shalt  }
0x48: {  	_ =	shalt  }
0x49: {  	_ =	shalt  }
0x4a: {  	_ =	shalt  }
0x4b: {  	_ =	shalt  }
0x4c: {  	_ =	shalt  }
0x4d: {  	_ =	shalt  }
0x4e: {  	_ =	shalt  }
0x4f: {  	_ =	shalt  }
0x50: {  	_ =	shalt  }
0x51: {  	_ =	shalt  }
0x52: {  	_ =	shalt  }
0x53: {  	_ =	shalt  }
0x54: {  	_ =	shalt  }
0x55: {  	_ =	shalt  }
0x56: {  	_ =	shalt  }
0x57: {  	_ =	shalt  }
0x58: {  	_ =	shalt  }
0x59: {  	_ =	shalt  }
0x5a: {  	_ =	shalt  }
0x5b: {  	_ =	shalt  }
0x5c: {  	_ =	shalt  }
0x5d: {  	_ =	shalt  }
0x5e: {  	_ =	shalt  }
0x5f: {  	_ =	shalt  }
0x60: {  	_ =	shalt  }
0x61: {  	_ =	shalt  }
0x62: {  	_ =	shalt  }
0x63: {  	_ =	shalt  }
0x64: {  	_ =	shalt  }
0x65: {  	_ =	shalt  }
0x66: {  	_ =	shalt  }
0x67: {  	_ =	shalt  }
0x68: {  	_ =	shalt  }
0x69: {  	_ =	shalt  }
0x6a: {  	_ =	shalt  }
0x6b: {  	_ =	shalt  }
0x6c: {  	_ =	shalt  }
0x6d: {  	_ =	shalt  }
0x6e: {  	_ =	shalt  }
0x6f: {  	_ =	shalt  }
0x70: {  	_ =	shalt  }
0x71: {  	_ =	shalt  }
0x72: {  	_ =	shalt  }
0x73: {  	_ =	shalt  }
0x74: {  	_ =	shalt  }
0x75: {  	_ =	shalt  }
0x76: {  	_ =	shalt  }
0x77: {  	_ =	shalt  }
0x78: {  	_ =	shalt  }
0x79: {  	_ =	shalt  }
0x7a: {  	_ =	shalt  }
0x7b: {  	_ =	shalt  }
0x7c: {  	_ =	shalt  }
0x7d: {  	_ =	shalt  }
0x7e: {  	_ =	shalt  }
0x7f: {  	_ =	shalt  }
0x80: {  	_ =	shalt  }
0x81: {  	_ =	shalt  }
0x82: {  	_ =	shalt  }
0x83: {  	_ =	shalt  }
0x84: {  	_ =	shalt  }
0x85: {  	_ =	shalt  }
0x86: {  	_ =	shalt  }
0x87: {  	_ =	shalt  }
.Lfunc_end0:
.L_simem_size_0:
called_computation_lowered:
.L_overlay_start_0:
0x88: {  	s2 =	sld [smem:$0x3FD9]  }
0x89: {  	s3 =	sld [smem:$0x3FFE];
	_ =	sdelay $0x1  }
0x8a: {  	s1 =	srdreg.scid  }
0x8b: {  	s0 =	sand.u32 $0x1, s1  }
0x8c: {  	s17 =	sshll.u32 s0, $0xA;
	s2 =	sadd.s32 s3, s2  }
0x8d: {  	s2 =	sadd.s32 s2, s17  }
0x8e: {  	[smem:$0x3FC6] =	sst s2  }
0x8f: {  	_ = 	snop  }
0x90: {  	s2 =	sld [smem:$0x3FC9]  }
0x91: {  	s18 =	sld [smem:$0x3FC8];
	(tm) =	ssettm $0x1  }
0x92: {  	s4 =	sld [smem:$0x3FFB];
	_ =	sdelay $0x3  }
0x93: {  	_ =	strace s4  }
0x94: {  	s4 =	sld [smem:$0x3FFC];
	_ =	sdelay $0x3  }
0x95: {  	_ =	strace s4  }
0x96: {  	s4 =	sld [smem:$0x3FFD];
	_ =	sdelay $0x3  }
0x97: {  	_ =	strace s4  }
0x98: {  	_ =	strace $0x8FFFFFFF  }
0x99: {  	s19 =	sld [smem:$0x3FDB];
	_ =	sdelay $0x1  }
0x9a: {  	s5 =	simm.s32 $_scs_section_size  }
0x9b: {  	s6 =	simm.s32 $_size__tile_overlayer_lowered;
	s7 =	simm.s32 $_tile_overlayer_lowered  }
0x9c: {  	s22 =	simm.s32 $0x1BFF;
	s21 =	sshll.u32 s7, $0x1;
	s4 =	sadd.s32 s5, s19  }
0x9d: {  	s8 =	simm.s32 $0x0;
	s20 =	sshll.u32 s6, $0x1;
	s6 =	sadd.s32 s21, s4  }
0x9e: {  	[timem:s8], [sflag:s22] =	dma.local [hbm:s6], s20  }
0x9f: {  	_ =	swait.ge [sflag:s22], s20  }
0xa0: {  	s5 =	ssub.s32 $0x0, s20;
	[sflag:s22] =	ssyncset.done $0x0  }
0xa1: {  	[sflag:s22] =	ssyncadd.s32 s5;
	_ =	sdelay $0x1  }
0xa2: {  	s23 =	simm.s32 $0x1B8B  }
0xa3: {  	_ =	swait.ge [sflag:s23], $0x1  }
0xa4: {  	[sflag:s23] =	ssyncset.done $0x0  }
0xa5: {  	s25 =	simm.s32 $0x1B8E;
	s24 =	sld [smem:$0x3FFE];
	[sflag:s23] =	ssyncadd.s32 $0xFFFFFFFF  }
0xa6: {  	s26 =	simm.s32 $execute0_lowered;
	[smem:$0x3FD2] =	sst s25  }
0xa7: {  	s6 =	sshll.u32 s26, $0x1;
	_ =	strace $0x80000046;
	[dreg:$0x1] =	wrdreg $0xFFFFFFFF  }
0xa8: {  	s28 =	simm.s32 $_size_execute0_lowered;
	s4 =	sadd.s32 s4, s6;
	[dreg:$0x0] =	wrdreg $0x0  }
0xa9: {  	s6 =	sshll.u32 s28, $0x1;
	[dreg:$0x2] =	wrdreg s4  }
0xaa: {  	[dreg:$0x3] =	wrdreg s6  }
0xab: {  	[dreg:$0x4] =	wrdreg $0xC0  }
0xac: {  	_ =	task [dreg:s8], $0x5FFFF  }
0xad: {  	[dreg:$0x1] =	wrdreg $0xFFFFFFFF  }
0xae: {  	[dreg:$0x0] =	wrdreg $0x60  }
0xaf: {  	[dreg:$0x2] =	wrdreg s2  }
0xb0: {  	[dreg:$0x3] =	wrdreg s18  }
0xb1: {  	[dreg:$0x4] =	wrdreg s24  }
0xb2: {  	[dreg:$0x5] =	wrdreg $0x9  }
0xb3: {  	_ =	task.clear_ibuf [dreg:s8], $0x6FFFF;
	_ =	strace $0x90000046  }
0xb4: {  	s29 =	simm.s32 $0x9;
	_ =	strace $0x80000048  }
0xb5: {  	_ =	swait.ge [sflag:s29], $0x1  }
0xb6: {  	[sflag:s29] =	ssyncadd.s32 $0xFFFFFFFF  }
0xb7: {  	_ =	strace $0x90000048  }
0xb8: {  	_ =	sfence  }
0xb9: {  	s30 =	sld [smem:$0x0];
	_ =	sdelay $0x2  }
0xba: {  	s31 =	sshll.u32 s1, $0xD;
	s1 =	sshrl.u32 s1, $0x2  }
0xbb: {  	s3 =	sand.u32 $0x4000, s31;
	s1 =	sadd.s32 s1, s30  }
0xbc: {  	s0 =	sor.u32 s3, s0;
	s1 =	sshll.u32 s1, $0x11  }
0xbd: {  	s0 =	sor.u32 s1, s0  }
0xbe: {  	s0 =	sadd.s32 $0x8F2B, s0  }
0xbf: {  	[sflag:s0] =	ssyncadd.remote.s32 $0x1  }
0xc0: {  	_ =	sfence.sel $0xFFFF  }
0xc1: {  	[dreg:$0x0] =	wrdreg $0xFFFFFFFF;
	(pc) =	sbr.abs _section_cstart, $3  }
0xc2: {  	[dreg:$0x1] =	wrdreg $0xFFFFFFFF  }
0xc3: {  	_ =	task.clear_ibuf [dreg:s8], $0x2FFFF;
	_ =	strace $0x9FFFFFFF  }
0xc4: {  	(tm) =	ssettm $0x7FFFFFFF  }
0xc5: {  	_ =	shalt  }
tec
execute0_lowered:
.L_overlay_start_1:
0x0: {  	(tag) =	ssettag $0x1  }
0x1: {  	s0 =	srdreg.scid;
	s13 =	stileid.u32  }
0x2: {  	s0 =	sand.u32 $0x1, s0;
	s1 =	sshll.u32 s13, $0x1  }
0x3: {  	s7 =	rddreg [dreg:$0x0];
	s1 =	sor.u32 s0, s1  }
0x4: {  	s9 =	rddreg [dreg:$0x1];
	s2 =	smul.u32 $0x18, s1  }
0x5: {  	s10 =	rddreg [dreg:$0x2];
	s8 =	smin.u32 s1, $0x10  }
0x6: {  	s14 =	simm.s32 $0x1;
	s24 =	sand.u32 $0x3, s8;
	s3 =	sadd.s32 s8, s2  }
0x7: {  	s4 =	simm.s32 $0x19;
	p1 =	sne.s32 s24, $0x0;
	p0 =	seq.s32 s3, $0x0  }
0x8: {  	s30 =	simm.s32 $0x5;
	s31 =	simm.s32 $0x0;
	p0 =	por !p0, !p1  }
0x9: {  	s5 =	ssub.s32 $0x2, s0;
	s0 =	smul.u32 $0x18, s0;
	p0 =	por !p0, !p0  }
0xa: {  	s6 =	sshrl.u32 s5, $0x1;
	s3 =	sshrl.u32 s3, $0x2;
	s14 =	simm.s32 @!p0 $0x0  }
0xb: {  	s1 =	sshll.u32 s1, $0x4;
	s11 =	ssub.s32 s5, s6;
	s3 =	ssub.s32 s3, s14  }
0xc: {  	s28 =	sadd.s32 s10, s1;
	s2 =	simm.s32 $0x0;
	p0 =	slt.s32 s3, $0xBD  }
0xd: {  	s11 =	smax.u32 s11, $0x1;
	[smem:$0x7FF] =	sst s2;
	s3 =	simm.s32 @!p0 $0xBD  }
0xe: {  	p1 =	slt.u32 s13, $0x8;
	s13 =	smul.u32 $0x30, s13;
	s25 =	sshll.u32 s3, $0x9  }
0xf: {  	_ =	strace $0x80000047;
	[dreg:$0x4] =	wrdreg s28;
	s12 =	sadd.s32 $0x400, s25  }
0x10: {  	s13 =	sadd.s32 s13, s8;
	s26 =	sand.u32 $0x1FFFFE00, s25;
	s12 =	sand.u32 $0x1FFFFE00, s12  }
0x11: {  	s6 =	sadd.s32 s9, s26;
	s8 =	sadd.s32 s9, s12;
	s9 =	sadd.s32 s0, s13  }
0x12: {  	s4 =	simm.s32 @!p1 $0x18;
	s5 =	sadd.s32 s7, s26;
	s29 =	sshrl.u32 s9, $0x2  }
0x13: {  	s7 =	sadd.s32 s7, s12;
	s12 =	sadd.s32 $0x200, s5;
	s0 =	ssub.s32 s29, s14  }
0x14: {  	s13 =	sadd.s32 $0x200, s6;
	s15 =	sadd.s32 $0x400, s7;
	p0 =	slt.s32 s0, $0xBD  }
0x15: {  	s16 =	sadd.s32 $0x600, s7;
	s17 =	sadd.s32 $0x800, s7;
	s0 =	simm.s32 @!p0 $0xBD  }
0x16: {  	s18 =	sadd.s32 $0x200, s8;
	s19 =	sadd.s32 $0x400, s8;
	s0 =	sshll.u32 s0, $0x2  }
0x17: {  	s20 =	sadd.s32 $0x600, s8;
	s21 =	sadd.s32 $0x800, s8;
	s0 =	ssub.s32 s9, s0  }
0x18: {  	s22 =	sshll.u32 s9, $0x4;
	s14 =	sadd.s32 $0x200, s7;
	s23 =	sadd.s32 $0xFFFFFFF8, s0  }
.LBB2_1:
0x19: {  	[tilespmem:s2], [sflag:$0x1] =	stream.linear.gather [hbm4b:s5+s2], $0xF00, $0x38;
	[tilespmem:$0xE080] =	vst v63  }
0x1a: {  	s0 =	simm.s32 $0x1000  }
0x1b: {  	[tilespmem:s0], [sflag:$0x1] =	stream.linear.gather [hbm4b:s12+s2], $0xF00, $0x38;
	[tilespmem:$0xE080] =	vst v63  }
0x1c: {  	s25 =	simm.s32 $0x7000  }
0x1d: {  	[tilespmem:s25], [sflag:$0x2] =	stream.linear.gather [hbm4b:s6+s2], $0xF00, $0x38;
	[tilespmem:$0xE080] =	vst v63  }
0x1e: {  	s26 =	simm.s32 $0x8000  }
0x1f: {  	[tilespmem:s26], [sflag:$0x2] =	stream.linear.gather [hbm4b:s13+s2], $0xF00, $0x38;
	[tilespmem:$0xE080] =	vst v63  }
0x20: {  	s29 =	simm.s32 $0x2000  }
0x21: {  	[tilespmem:s29], [sflag:$0x3] =	stream.linear.gather [hbm4b:s7+s2], $0xF00, $0x38;
	[tilespmem:$0xE080] =	vst v63  }
0x22: {  	s1 =	simm.s32 $0x3000  }
0x23: {  	[tilespmem:s1], [sflag:$0x3] =	stream.linear.gather [hbm4b:s14+s2], $0xF00, $0x38;
	[tilespmem:$0xE080] =	vst v63  }
0x24: {  	s10 =	simm.s32 $0x4000  }
0x25: {  	[tilespmem:s10], [sflag:$0x3] =	stream.linear.gather [hbm4b:s15+s2], $0xF00, $0x38;
	[tilespmem:$0xE080] =	vst v63  }
0x26: {  	s24 =	simm.s32 $0x5000  }
0x27: {  	[tilespmem:s24], [sflag:$0x3] =	stream.linear.gather [hbm4b:s16+s2], $0xF00, $0x38;
	[tilespmem:$0xE080] =	vst v63  }
0x28: {  	s25 =	simm.s32 $0x6000  }
0x29: {  	[tilespmem:s25], [sflag:$0x3] =	stream.linear.gather [hbm4b:s17+s2], $0xF00, $0x38;
	[tilespmem:$0xE080] =	vst v63  }
0x2a: {  	s26 =	simm.s32 $0x9000  }
0x2b: {  	[tilespmem:s26], [sflag:$0x4] =	stream.linear.gather [hbm4b:s8+s2], $0xF00, $0x38;
	[tilespmem:$0xE080] =	vst v63  }
0x2c: {  	s29 =	simm.s32 $0xA000  }
0x2d: {  	[tilespmem:s29], [sflag:$0x4] =	stream.linear.gather [hbm4b:s18+s2], $0xF00, $0x38;
	[tilespmem:$0xE080] =	vst v63  }
0x2e: {  	s1 =	simm.s32 $0xB000  }
0x2f: {  	[tilespmem:s1], [sflag:$0x4] =	stream.linear.gather [hbm4b:s19+s2], $0xF00, $0x38;
	[tilespmem:$0xE080] =	vst v63  }
0x30: {  	p0 =	por $0x0, $0x0;
	s10 =	simm.s32 $0xC000  }
0x31: {  	[tilespmem:s10], [sflag:$0x4] =	stream.linear.gather [hbm4b:s20+s2], $0xF00, $0x38;
	[tilespmem:$0xE080] =	vst v63  }
0x32: {  	s0 =	simm.s32 @!p0 $0x1;
	s24 =	simm.s32 $0xD000  }
0x33: {  	[tilespmem:s24], [sflag:$0x4] =	stream.linear.gather [hbm4b:s21+s2], $0xF00, $0x38;
	[tilespmem:$0xE080] =	vst v63  }
0x34: {  	_ =	swait.ge @!p0 [sflag:s0], $0x1E00  }
0x35: {  	[sflag:s0] =	ssyncset.done @!p0 $0x0  }
0x36: {  	[sflag:s0] =	ssyncadd.s32 @!p0 $0xFFFFE200;
	s0 =	simm.s32 @!p0 $0x2  }
0x37: {  	p1 =	sne.s32 s4, $0x1;
	s1 =	sadd.s32 $0x0, s23;
	_ =	swait.ge @!p0 [sflag:s0], $0x1E00  }
0x38: {  	s25 =	sadd.s32 $0x0, s9;
	p2 =	sne.s32 s1, $0x0;
	[sflag:s0] =	ssyncset.done @!p0 $0x0  }
0x39: {  	s1 =	sshrl.u32 s25, $0x2;
	[sflag:s0] =	ssyncadd.s32 @!p0 $0xFFFFE200;
	s0 =	simm.s32 @!p2 $0x3  }
.Ltmp0:
0x3a: {  	s26 =	simm.s32 @!p2 $0x4;
	_ =	swait.ge @!p2 [sflag:s0], $0x4B00;
	(pc) =	sbr.rel @!p1 .LBB2_2-.Ltmp0, $4  }
0x3b: {  	s1 =	ssub.s32 s1, s3;
	s24 =	sand.u32 $0xFFFFFFC0, s22;
	[sflag:s0] =	ssyncset.done @!p2 $0x0  }
0x3c: {  	s1 =	sshll.u32 s1, $0xC;
	s24 =	ssub.s32 s22, s24;
	[sflag:s0] =	ssyncadd.s32 @!p2 $0xFFFFB500  }
0x3d: {  	s29 =	sand.u32 $0xFFFFFF80, s24;
	s28 =	sand.u32 $0x70, s24;
	_ =	swait.ge @!p2 [sflag:s26], $0x4B00  }
0x3e: {  	v0 =	vimm.f32 $0.0e+00;
	s25 =	sadd.s32 s1, s29;
	p0 =	por $0x0, $0x0;
	[sflag:s26] =	ssyncset.done @!p2 $0x0  }
0x3f: {  	[sflag:s26] =	ssyncadd.s32 @!p2 $0xFFFFB500;
	s0 =	sor.u32 s28, s25  }
0x40: {  	v11 =	vld [tilespmem:s0+$0x580]  }
0x41: {  	v12 =	vld [tilespmem:s0+$0x7580]  }
0x42: {  	v4 =	vld [tilespmem:s0+$0x180]  }
0x43: {  	v1 =	vld [tilespmem:s0+$0x7180]  }
0x44: {  	v10 =	vld [tilespmem:s0+$0x380]  }
0x45: {  	v5 =	vld [tilespmem:s0+$0x80]  }
0x46: {  	v3 =	vld [tilespmem:s0+$0x7080]  }
0x47: {  	v7 =	vld [tilespmem:s0+$0x7100]  }
0x48: {  	v9 =	vld [tilespmem:s0+$0x0]  }
0x49: {  	v6 =	vld [tilespmem:s0+$0x7000]  }
0x4a: {  	v14 =	vld [tilespmem:s0+$0x280]  }
0x4b: {  	v18 =	vld [tilespmem:s0+$0x500]  }
0x4c: {  	v21 =	vld [tilespmem:s0+$0x7500]  }
0x4d: {  	v23 =	vld [tilespmem:s0+$0x600]  }
0x4e: {  	v27 =	vld [tilespmem:s0+$0x7600]  }
0x4f: {  	v34 =	vld [tilespmem:s0+$0x7700]  }
0x50: {  	v41 =	vld [tilespmem:s0+$0x700];
	v17 =	vmul.f32 $5.000000000e-01, v1  }
0x51: {  	v15 =	vld [tilespmem:s0+$0x300];
	v19 =	vmul.f32 $5.000000000e-01, v10;
	v20 =	vmul.f32 $7.142857460e-02, v3  }
0x52: {  	v13 =	vld [tilespmem:s0+$0x400];
	v11 =	vsub.f32 v11, v12;
	v12 =	vmul.f32 $5.000000000e-01, v7;
	v22 =	vmul.f32 $7.142857460e-02, v6  }
0x53: {  	v16 =	vld [tilespmem:s0+$0x100];
	v24 =	vmul.f32 $7.142857460e-02, v5;
	v26 =	vmul.f32 $5.000000000e-01, v4  }
0x54: {  	v28 =	vmul.f32 $7.142857460e-02, v14;
	v18 =	vsub.f32 v18, v21;
	v23 =	vsub.f32 v23, v27  }
0x55: {  	v2 =	vld [tilespmem:s0+$0x480];
	v30 =	vmul.f32 $7.142857460e-02, v9;
	v41 =	vsub.f32 v41, v34;
	v25 =	vadd.f32 v17, v20  }
0x56: {  	v8 =	vld [tilespmem:s0+$0x7280];
	v52 =	vmul.f32 $7.142857460e-02, v15;
	v29 =	vsub.f32 v22, v12;
	v12 =	vadd.f32 v12, v22  }
0x57: {  	v31 =	vld [tilespmem:s0+$0x7680];
	v53 =	vmul.f32 $5.000000000e-01, v13;
	v17 =	vsub.f32 v20, v17;
	v20 =	vadd.f32 v26, v24  }
0x58: {  	v36 =	vld [tilespmem:s0+$0x780];
	v56 =	vmul.f32 $5.000000000e-01, v16;
	v32 =	vsub.f32 v28, v19;
	v24 =	vsub.f32 v24, v26  }
0x59: {  	v54 =	vld [tilespmem:s0+$0x800];
	v11 =	vmul.f32 v11, v11;
	v19 =	vadd.f32 v19, v28;
	v40 =	vadd.f32 v53, v52  }
0x5a: {  	v39 =	vld [tilespmem:s0+$0x7800];
	v18 =	vmul.f32 v18, v18;
	v58 =	vadd.f32 v56, v30;
	v27 =	vsub.f32 v30, v56  }
0x5b: {  	v59 =	vld [tilespmem:s0+$0x7880];
	v26 =	vsub.f32 v52, v53;
	v23 =	vmul.f32 v23, v23;
	v33 =	vsub.f32 v12, v29  }
0x5c: {  	v21 =	vld [tilespmem:s0+$0x7780];
	v35 =	vsub.f32 v25, v17;
	v37 =	vmin.f32 v20, v25;
	v20 =	vsub.f32 v20, v24  }
0x5d: {  	v60 =	vld [tilespmem:s0+$0x900];
	v38 =	vmax.f32 v24, v17;
	v55 =	vsub.f32 v19, v32;
	v11 =	vadd.f32 v11, v18  }
0x5e: {  	v22 =	vld [tilespmem:s0+$0x680];
	v57 =	vmax.f32 v32, v29;
	v19 =	vmin.f32 v19, v12;
	v25 =	vmin.f32 v40, v25  }
0x5f: {  	v61 =	vld [tilespmem:s0+$0x7900];
	v32 =	vsub.f32 v58, v27;
	v17 =	vmax.f32 v26, v17;
	v26 =	vsub.f32 v40, v26  }
0x60: {  	v62 =	vld [tilespmem:s0+$0x7380];
	v12 =	vmin.f32 v58, v12;
	v24 =	vsub.f32 v54, v39;
	v37 =	vsub.f32 v37, v38  }
0x61: {  	v63 =	vld [tilespmem:s0+$0x7400];
	v27 =	vmax.f32 v27, v29;
	v21 =	vsub.f32 v36, v21;
	v19 =	vsub.f32 v19, v57  }
0x62: {  	v42 =	vld [tilespmem:s0+$0x980];
	v45 =	vmul.f32 v41, v41;
	v17 =	vsub.f32 v25, v17;
	v12 =	vsub.f32 v12, v27  }
0x63: {  	v44 =	vld [tilespmem:s0+$0x7980];
	v20 =	vmul.f32 v20, v32;
	v43 =	vmul.f32 v26, v55;
	v18 =	vsub.f32 v22, v31  }
0x64: {  	v47 =	vld [tilespmem:s0+$0x7A00];
	v11 =	vadd.f32 v23, v11;
	v46 =	vmul.f32 v35, v33;
	v39 =	vmax.f32 v37, $0.0e+00  }
0x65: {  	v22 =	vld [tilespmem:s0+$0x880];
	v19 =	vmax.f32 v19, $0.0e+00;
	v17 =	vmax.f32 v17, $0.0e+00;
	v18 =	vmul.f32 v18, v18  }
0x66: {  	v23 =	vld [tilespmem:s0+$0xA00];
	v12 =	vmax.f32 v12, $0.0e+00;
	v17 =	vmul.f32 v17, v19;
	v19 =	vadd.f32 v46, v43  }
0x67: {  	v48 =	vld [tilespmem:s0+$0x7A80];
	v12 =	vmul.f32 v39, v12;
	v20 =	vadd.f32 v46, v20;
	v11 =	vadd.f32 v18, v11  }
0x68: {  	v49 =	vld [tilespmem:s0+$0xB00];
	v24 =	vmul.f32 v24, v24;
	v19 =	vsub.f32 v19, v17  }
0x69: {  	v50 =	vld [tilespmem:s0+$0x7B00];
	v21 =	vmul.f32 v21, v21;
	v20 =	vsub.f32 v20, v12;
	v11 =	vadd.f32 v45, v11  }
0x6a: {  	v51 =	vld [tilespmem:s0+$0xB80];
	v26 =	vsub.f32 v42, v44;
	v22 =	vsub.f32 v22, v59;
	v12 =	vmul.f32 v19, v12  }
0x6b: {  	v52 =	vld [tilespmem:s0+$0x7C00];
	v17 =	vmul.f32 v20, v17;
	v19 =	vsub.f32 v23, v47;
	v11 =	vadd.f32 v21, v11  }
0x6c: {  	v28 =	vsub.f32 v60, v61;
	v56 =	vld [tilespmem:s0+$0xD80];
	v20 =	vmul.f32 v26, v26;
	v22 =	vmul.f32 v22, v22  }
0x6d: {  	v18 =	vld [tilespmem:s0+$0xA80];
	vm0 =	vge.f32 v12, v17;
	v12 =	vmul.f32 v19, v19;
	v11 =	vadd.f32 v24, v11  }
0x6e: {  	v60 =	vld [tilespmem:s0+$0x7E00];
	v19 =	vsub.f32 v49, v50;
	v53 =	vsel vm0, v16, v10;
	v4 =	vsel vm0, v4, v13  }
0x6f: {  	v21 =	vld [tilespmem:s0+$0x7B80];
	v13 =	vmul.f32 v28, v28;
	v14 =	vsel vm0, v9, v14;
	v11 =	vadd.f32 v22, v11  }
0x70: {  	v10 =	vld [tilespmem:s0+$0xC80];
	v15 =	vsel vm0, v5, v15;
	v5 =	vsel vm0, v1, v63;
	v22 =	vsel vm0, v7, v62  }
0x71: {  	v16 =	vld [tilespmem:s0+$0x7C80];
	v6 =	vsel vm0, v6, v8;
	v9 =	vmul.f32 v22, v53;
	v1 =	vadd.f32 v13, v11  }
0x72: {  	v23 =	vld [tilespmem:s0+$0xC00];
	v18 =	vsub.f32 v18, v48;
	v6 =	vsub.f32 v14, v6;
	v7 =	vmul.f32 v5, v4  }
0x73: {  	v8 =	vld [tilespmem:s0+$0x7300];
	v55 =	vmul.f32 $5.000000000e-01, v9;
	v1 =	vadd.f32 v20, v1;
	v20 =	vshra.s32 v9, $0x1  }
0x74: {  	v54 =	vld [tilespmem:s0+$0xD00];
	v21 =	vsub.f32 v51, v21;
	v57 =	vshra.s32 v7, $0x1;
	v20 =	vsub.s32 $0x5F3759DF, v20  }
0x75: {  	v58 =	vld [tilespmem:s0+$0x7D80];
	v1 =	vadd.f32 v12, v1;
	v12 =	vmul.f32 v18, v18;
	v18 =	vmul.f32 v20, v55  }
0x76: {  	v16 =	vsub.f32 v10, v16;
	v11 =	vld [tilespmem:s0+$0x7D00];
	v13 =	vmul.f32 $5.000000000e-01, v7;
	v14 =	vsub.s32 $0x5F3759DF, v57  }
0x77: {  	v59 =	vld [tilespmem:s0+$0xE00];
	v10 =	vadd.f32 v12, v1;
	v12 =	vmul.f32 v19, v19;
	v18 =	vmul.f32 v20, v18  }
0x78: {  	v17 =	vld [tilespmem:s0+$0x200];
	v3 =	vsel vm0, v3, v8;
	v8 =	vsub.f32 v23, v52;
	v19 =	vmul.f32 v14, v13  }
0x79: {  	v62 =	vld [tilespmem:s0+$0x7E80];
	v10 =	vadd.f32 v12, v10;
	v12 =	vmul.f32 v21, v21;
	v18 =	vsub.f32 $1.500000000e+00, v18  }
0x7a: {  	v61 =	vsub.f32 v56, v58;
	v23 =	vld [tilespmem:s0+$0x7480];
	v8 =	vmul.f32 v8, v8;
	v19 =	vmul.f32 v14, v19  }
0x7b: {  	p0 =	por $0x1, $0x1;
	v11 =	vsub.f32 v54, v11;
	v1 =	vld [tilespmem:s0+$0x7200];
	v12 =	vadd.f32 v12, v10;
	v18 =	vmul.f32 v20, v18  }
0x7c: {  	v16 =	vmul.f32 v16, v16;
	v21 =	vld [tilespmem:s0+$0xE80];
	s0 =	simm.s32 @!p0 $0x1;
	v10 =	vsub.f32 v15, v3;
	v3 =	vsub.f32 $1.500000000e+00, v19  }
0x7d: {  	s1 =	simm.s32 $0x2;
	v11 =	vmul.f32 v11, v11;
	_ =	swait.ge @!p0 [sflag:s0], $0x1E00;
	v15 =	vadd.f32 v8, v12;
	v19 =	vmul.f32 v18, v55  }
0x7e: {  	s29 =	sadd.s32 $0x1, s23;
	p1 =	sne.s32 s4, $0x2;
	v20 =	vsel vm0, v17, v2;
	[sflag:s0] =	ssyncset.done @!p0 $0x0;
	v8 =	vmul.f32 v6, v6;
	v3 =	vmul.f32 v14, v3  }
0x7f: {  	s24 =	simm.s32 @!p0 $0x2;
	p2 =	sne.s32 s29, $0x0;
	[sflag:s0] =	ssyncadd.s32 @!p0 $0xFFFFE200;
	v6 =	vsub.f32 v2, v23;
	v14 =	vadd.f32 v16, v15;
	v15 =	vmul.f32 v19, v18  }
0x80: {  	s29 =	sadd.s32 $0x1, s9;
	s25 =	simm.s32 @!p2 $0x3;
	v12 =	vmul.f32 v20, v20;
	_ =	swait.ge @!p0 [sflag:s24], $0x1E00;
	v23 =	vsub.f32 v17, v1;
	v19 =	vmul.f32 v3, v13  }
0x81: {  	s26 =	simm.s32 @!p2 $0x4;
	s29 =	sshrl.u32 s29, $0x2;
	v20 =	vmul.f32 v61, v61;
	[sflag:s24] =	ssyncset.done @!p0 $0x0;
	v16 =	vsub.f32 v59, v60;
	v15 =	vsub.f32 $1.500000000e+00, v15  }
0x82: {  	s0 =	sadd.s32 $0x10, s22;
	[sflag:s24] =	ssyncadd.s32 @!p0 $0xFFFFE200;
	s24 =	sadd.s32 $0x1, s9;
	v11 =	vadd.f32 v11, v14;
	v14 =	vmul.f32 v6, v6;
	v63 =	vmul.f32 v19, v3  }
.Ltmp1:
0x83: {  	_ =	swait.ge @!p2 [sflag:s25], $0x4B00;
	s28 =	sshll.u32 s24, $0x4;
	v6 =	vsel vm0, v2, v17;
	v2 =	vmul.f32 v23, v23;
	v19 =	vmul.f32 v15, v18;
	(pc) =	sbr.rel @!p1 .LBB2_4-.Ltmp1, $4  }
0x84: {  	p0 =	por $0x1, $0x1;
	[sflag:s25] =	ssyncset.done @!p2 $0x0;
	s28 =	sand.u32 $0xFFFFFFC0, s28;
	v11 =	vadd.f32 v20, v11;
	v15 =	vmul.f32 v16, v16;
	v17 =	vsub.f32 $1.500000000e+00, v63  }
0x85: {  	[sflag:s25] =	ssyncadd.s32 @!p2 $0xFFFFB500;
	s25 =	ssub.s32 s0, s28;
	s28 =	ssub.s32 s29, s3;
	v16 =	vsub.f32 v21, v62;
	v2 =	vadd.f32 v14, v2;
	v18 =	vmul.f32 v19, v55  }
0x86: {  	_ =	swait.ge @!p2 [sflag:s26], $0x4B00;
	v21 =	vadd.f32 v22, v53;
	s29 =	sand.u32 $0xFFFFFF80, s25;
	s10 =	sshll.u32 s28, $0xC;
	v14 =	vadd.f32 v15, v11;
	v22 =	vmul.f32 v17, v3  }
0x87: {  	s28 =	sand.u32 $0x70, s25;
	[sflag:s26] =	ssyncset.done @!p2 $0x0;
	s25 =	sadd.s32 s10, s29;
	v3 =	vmul.f32 $5.000000000e-01, v2;
	v2 =	vimm.f32 $0.0e+00;
	v15 =	vmul.f32 v18, v19  }
.LBB2_5:
0x88: {  	[sflag:s26] =	ssyncadd.s32 @!p2 $0xFFFFB500  }
0x89: {  	s26 =	sor.u32 s28, s25;
	s25 =	smov.u32 s1;
	s1 =	sadd.s32 $0x1, s1  }
0x8a: {  	p1 =	sne.s32 s4, s1;
	v11 =	vld [tilespmem:s26+$0x480];
	v15 =	vsub.f32 $1.500000000e+00, v15  }
0x8b: {  	v18 =	vld [tilespmem:s26+$0x580]  }
0x8c: {  	v20 =	vld [tilespmem:s26+$0x7580];
	v15 =	vmul.f32 v15, v19;
	v19 =	vmul.f32 v22, v13  }
0x8d: {  	v17 =	vld [tilespmem:s26+$0x180]  }
0x8e: {  	v13 =	vld [tilespmem:s26+$0x7180];
	v15 =	vmul.f32 v15, v9;
	v23 =	vmul.f32 v19, v22  }
0x8f: {  	v19 =	vld [tilespmem:s26+$0x380]  }
0x90: {  	v9 =	vld [tilespmem:s26+$0x80];
	v24 =	vadd.f32 v15, v15;
	v23 =	vsub.f32 $1.500000000e+00, v23  }
0x91: {  	v25 =	vsub.f32 v18, v20;
	v15 =	vld [tilespmem:s26+$0x7080]  }
0x92: {  	v18 =	vld [tilespmem:s26+$0x7100];
	v20 =	vsub.f32 v21, v24;
	v23 =	vmul.f32 v23, v22  }
0x93: {  	v22 =	vld [tilespmem:s26+$0x400]  }
0x94: {  	v24 =	vmul.f32 $5.000000000e-01, v13;
	v21 =	vld [tilespmem:s26+$0x0];
	v4 =	vadd.f32 v20, v4;
	v23 =	vmul.f32 v23, v7  }
0x95: {  	v20 =	vld [tilespmem:s26+$0x7000]  }
0x96: {  	v16 =	vmul.f32 v16, v16;
	v7 =	vld [tilespmem:s26+$0x280];
	v26 =	vadd.f32 v4, v5;
	v23 =	vadd.f32 v23, v23  }
0x97: {  	v28 =	vmul.f32 v10, v10;
	v29 =	vadd.f32 v12, v12;
	v27 =	vmul.f32 $5.000000000e-01, v19;
	v5 =	vld [tilespmem:s26+$0x300]  }
0x98: {  	v31 =	vmul.f32 $7.142857460e-02, v15;
	v30 =	vmul.f32 $5.000000000e-01, v18;
	v4 =	vld [tilespmem:s26+$0x100];
	v23 =	vsub.f32 v26, v23  }
0x99: {  	v12 =	vadd.f32 v16, v14;
	v8 =	vadd.f32 v28, v8;
	v26 =	vmul.f32 $7.142857460e-02, v9;
	v10 =	vld [tilespmem:s26+$0x7280]  }
0x9a: {  	v28 =	vadd.f32 v24, v31;
	v32 =	vmul.f32 $7.142857460e-02, v21;
	v14 =	vld [tilespmem:s26+$0x500];
	v16 =	vmul.f32 $7.142857460e-02, v20  }
0x9b: {  	v24 =	vsub.f32 v31, v24;
	v31 =	vmul.f32 $5.000000000e-01, v17;
	v33 =	vld [tilespmem:s26+$0x7500];
	v34 =	vmul.f32 $7.142857460e-02, v7  }
0x9c: {  	v35 =	vld [tilespmem:s26+$0x600];
	v36 =	vsub.f32 v16, v30;
	v16 =	vadd.f32 v30, v16  }
0x9d: {  	v25 =	vmul.f32 v25, v25;
	v37 =	vadd.f32 v31, v26;
	v30 =	vld [tilespmem:s26+$0x7600];
	v38 =	vsub.f32 v34, v27  }
0x9e: {  	v26 =	vsub.f32 v26, v31;
	v31 =	vmul.f32 $7.142857460e-02, v5;
	v39 =	vld [tilespmem:s26+$0x680];
	v40 =	vsub.f32 v16, v36  }
0x9f: {  	v42 =	vsub.f32 v28, v24;
	v43 =	vmin.f32 v37, v28;
	v27 =	vadd.f32 v27, v34;
	v41 =	vld [tilespmem:s26+$0x7680]  }
0xa0: {  	v34 =	vmul.f32 $5.000000000e-01, v22;
	v44 =	vmax.f32 v38, v36;
	v14 =	vsub.f32 v14, v33;
	v33 =	vld [tilespmem:s26+$0x7700]  }
0xa1: {  	v46 =	vmax.f32 v26, v24;
	v26 =	vsub.f32 v37, v26;
	v37 =	vmin.f32 v27, v16;
	v45 =	vld [tilespmem:s26+$0x780]  }
0xa2: {  	v43 =	vsub.f32 v43, v46;
	v27 =	vsub.f32 v27, v38;
	v14 =	vmul.f32 v14, v14;
	v47 =	vld [tilespmem:s26+$0x7780]  }
0xa3: {  	v38 =	vmul.f32 $5.000000000e-01, v4;
	v46 =	vadd.f32 v34, v31;
	v30 =	vsub.f32 v35, v30;
	v35 =	vld [tilespmem:s26+$0x800]  }
0xa4: {  	v8 =	vadd.f32 v23, v8;
	v14 =	vadd.f32 v25, v14;
	v25 =	vld [tilespmem:s26+$0x7800]  }
0xa5: {  	v28 =	vmin.f32 v46, v28;
	v23 =	vsub.f32 v39, v41;
	v41 =	vadd.f32 v38, v32;
	v39 =	vld [tilespmem:s26+$0x700]  }
0xa6: {  	v31 =	vsub.f32 v31, v34;
	v30 =	vmul.f32 v30, v30;
	v32 =	vsub.f32 v32, v38;
	v48 =	vld [tilespmem:s26+$0x880]  }
0xa7: {  	v8 =	vmul.f32 $5.000000000e+00, v8;
	v16 =	vmin.f32 v41, v16;
	v34 =	vsub.f32 v45, v47;
	v38 =	vld [tilespmem:s26+$0x7880]  }
0xa8: {  	v24 =	vmax.f32 v31, v24;
	v31 =	vsub.f32 v46, v31;
	v41 =	vsub.f32 v41, v32;
	v45 =	vld [tilespmem:s26+$0x900]  }
0xa9: {  	v32 =	vmax.f32 v32, v36;
	v36 =	vsub.f32 v37, v44;
	v25 =	vsub.f32 v35, v25;
	v35 =	vld [tilespmem:s26+$0x7900]  }
0xaa: {  	v43 =	vmax.f32 v43, $0.0e+00;
	v24 =	vsub.f32 v28, v24;
	v26 =	vmul.f32 v26, v41;
	v37 =	vld [tilespmem:s26+$0x7380]  }
0xab: {  	v27 =	vmul.f32 v31, v27;
	v23 =	vmul.f32 v23, v23;
	v28 =	vsub.f32 v39, v33;
	v33 =	vld [tilespmem:s26+$0x7400]  }
0xac: {  	v6 =	vmul.f32 v6, v6;
	v8 =	vadd.f32 v8, v29;
	v16 =	vsub.f32 v16, v32;
	v31 =	vld [tilespmem:s26+$0x980]  }
0xad: {  	v32 =	vmul.f32 v42, v40;
	v36 =	vmax.f32 v36, $0.0e+00;
	v28 =	vmul.f32 v28, v28;
	v29 =	vld [tilespmem:s26+$0x7980]  }
0xae: {  	v24 =	vmax.f32 v24, $0.0e+00;
	v14 =	vadd.f32 v30, v14;
	v16 =	vmax.f32 v16, $0.0e+00;
	v30 =	vld [tilespmem:s26+$0xA00]  }
0xaf: {  	v6 =	vadd.f32 v8, v6;
	v24 =	vmul.f32 v24, v36;
	v27 =	vadd.f32 v32, v27;
	v39 =	vld [tilespmem:s26+$0x7A00]  }
0xb0: {  	vm0 =	vgt.f32 v1, $0.0e+00;
	v8 =	vadd.f32 v23, v14;
	v14 =	vmul.f32 v34, v34;
	v23 =	vld [tilespmem:s26+$0xA80]  }
0xb1: {  	v16 =	vmul.f32 v43, v16;
	v26 =	vadd.f32 v32, v26;
	v34 =	vsub.f32 v48, v38;
	v36 =	vld [tilespmem:s26+$0x7A80]  }
0xb2: {  	v25 =	vmul.f32 v25, v25;
	v8 =	vadd.f32 v28, v8;
	v28 =	vsub.f32 v31, v29;
	v29 =	vld [tilespmem:s26+$0xB00]  }
0xb3: {  	vm1 =	veq.f32 v1, $0.0e+00;
	v27 =	vsub.f32 v27, v24;
	v31 =	vsub.f32 v45, v35;
	v32 =	vld [tilespmem:s26+$0x7B00]  }
0xb4: {  	v3 =	vnsel vm1, $0x0, v3;
	v1 =	vadd.f32 v14, v8;
	v14 =	vsub.f32 v26, v16;
	v8 =	vld [tilespmem:s26+$0xB80]  }
0xb5: {  	v6 =	vadd.f32 v6, v12;
	v16 =	vmul.f32 v27, v16;
	v26 =	vsub.f32 v30, v39;
	v30 =	vld [tilespmem:s26+$0x7B80]  }
0xb6: {  	v14 =	vmul.f32 v14, v24;
	v12 =	vmul.f32 v28, v28;
	v23 =	vsub.f32 v23, v36;
	v27 =	vld [tilespmem:s26+$0xC00]  }
0xb7: {  	v6 =	vnsel vm0, $0x0, v6;
	v24 =	vmul.f32 v34, v34;
	v26 =	vmul.f32 v26, v26;
	v28 =	vld [tilespmem:s26+$0x7C00]  }
0xb8: {  	v6 =	vadd.f32 v6, v3;
	v1 =	vadd.f32 v25, v1;
	vm0 =	vge.f32 v16, v14;
	v34 =	vld [tilespmem:s26+$0x200]  }
0xb9: {  	v3 =	vsel vm0, v4, v19;
	v4 =	vsel vm0, v17, v22;
	v14 =	vsub.f32 v29, v32;
	v16 =	vld [tilespmem:s26+$0xC80]  }
0xba: {  	v2 =	vadd.f32 v6, v2;
	v1 =	vadd.f32 v24, v1;
	v17 =	vmul.f32 v31, v31;
	v19 =	vld [tilespmem:s26+$0x7C80]  }
0xbb: {  	v21 =	vsel vm0, v21, v7;
	v22 =	vsel vm0, v9, v5;
	v5 =	vsel vm0, v13, v33;
	v6 =	vld [tilespmem:s26+$0xD00]  }
0xbc: {  	v18 =	vsel vm0, v18, v37;
	v7 =	vmul.f32 v5, v4;
	v1 =	vadd.f32 v17, v1;
	v17 =	vld [tilespmem:s26+$0x7D00]  }
0xbd: {  	v10 =	vsel vm0, v20, v10;
	v9 =	vmul.f32 v18, v3;
	v8 =	vsub.f32 v8, v30;
	v24 =	vld [tilespmem:s26+$0x7300]  }
0xbe: {  	v20 =	vshra.s32 v7, $0x1;
	v13 =	vmul.f32 $5.000000000e-01, v7;
	v1 =	vadd.f32 v12, v1;
	v12 =	vld [tilespmem:s26+$0xD80]  }
0xbf: {  	v25 =	vshra.s32 v9, $0x1;
	v29 =	vmul.f32 $5.000000000e-01, v9;
	v16 =	vsub.f32 v16, v19;
	v19 =	vld [tilespmem:s26+$0x7D80]  }
0xc0: {  	v23 =	vmul.f32 v23, v23;
	v25 =	vsub.s32 $0x5F3759DF, v25;
	v26 =	vadd.f32 v26, v1;
	v30 =	vld [tilespmem:s26+$0xE00]  }
0xc1: {  	v21 =	vsub.f32 v21, v10;
	v20 =	vsub.s32 $0x5F3759DF, v20;
	v10 =	vmul.f32 v25, v29;
	v31 =	vld [tilespmem:s26+$0x7E00]  }
0xc2: {  	v14 =	vmul.f32 v14, v14;
	v23 =	vadd.f32 v23, v26;
	v1 =	vld [tilespmem:s26+$0x7200];
	v15 =	vsel vm0, v15, v24  }
0xc3: {  	v10 =	vmul.f32 v25, v10;
	v26 =	vsub.f32 v27, v28;
	v27 =	vmul.f32 v20, v13;
	v24 =	vld [tilespmem:s26+$0x7480]  }
0xc4: {  	v8 =	vmul.f32 v8, v8;
	v14 =	vadd.f32 v14, v23;
	v6 =	vsub.f32 v6, v17;
	v17 =	vld [tilespmem:s26+$0xE80]  }
0xc5: {  	v28 =	vsub.f32 $1.500000000e+00, v10;
	v19 =	vsub.f32 v12, v19;
	v12 =	vsel vm0, v34, v11;
	v23 =	vld [tilespmem:s26+$0x7E80]  }
0xc6: {  	v26 =	vmul.f32 v26, v26;
	v27 =	vmul.f32 v20, v27;
	v14 =	vadd.f32 v8, v14  }
0xc7: {  	p3 =	sne.s32 s25, $0x0;
	v8 =	vmul.f32 v21, v21;
	v10 =	vsub.f32 v22, v15;
	v15 =	vmul.f32 v25, v28  }
0xc8: {  	s10 =	simm.s32 @!p3 $0x1;
	v16 =	vmul.f32 v16, v16;
	v21 =	vsub.f32 $1.500000000e+00, v27;
	v14 =	vadd.f32 v26, v14  }
0xc9: {  	v12 =	vmul.f32 v12, v12;
	v22 =	vsub.f32 v11, v24;
	v24 =	vmul.f32 v15, v29;
	_ =	swait.ge @!p3 [sflag:s10], $0x1E00  }
0xca: {  	v20 =	vmul.f32 v20, v21;
	v14 =	vadd.f32 v16, v14;
	v16 =	vmul.f32 v6, v6;
	[sflag:s10] =	ssyncset.done @!p3 $0x0  }
0xcb: {  	s0 =	sadd.s32 $0x10, s0;
	v6 =	vsel vm0, v11, v34;
	v21 =	vsub.f32 v30, v31;
	v11 =	vmul.f32 v24, v15;
	[sflag:s10] =	ssyncadd.s32 @!p3 $0xFFFFE200;
	s10 =	simm.s32 @!p3 $0x2  }
0xcc: {  	s24 =	sadd.s32 $0x1, s24;
	s26 =	sadd.s32 s25, s23;
	v14 =	vadd.f32 v16, v14;
	v16 =	vmul.f32 v19, v19;
	v19 =	vmul.f32 v20, v13;
	_ =	swait.ge @!p3 [sflag:s10], $0x1E00  }
0xcd: {  	s28 =	sshll.u32 s24, $0x4;
	p2 =	sne.s32 s26, $0x0;
	v24 =	vsub.f32 v34, v1;
	v22 =	vmul.f32 v22, v22;
	v11 =	vsub.f32 $1.500000000e+00, v11;
	[sflag:s10] =	ssyncset.done @!p3 $0x0  }
0xce: {  	s26 =	simm.s32 @!p2 $0x4;
	v21 =	vmul.f32 v21, v21;
	v14 =	vadd.f32 v16, v14;
	v25 =	vmul.f32 v19, v20;
	[sflag:s10] =	ssyncadd.s32 @!p3 $0xFFFFE200;
	s10 =	simm.s32 @!p2 $0x3  }
.Ltmp2:
0xcf: {  	s25 =	sadd.s32 s25, s9;
	v16 =	vsub.f32 v17, v23;
	v24 =	vmul.f32 v24, v24;
	v19 =	vmul.f32 v11, v15;
	_ =	swait.ge @!p2 [sflag:s10], $0x4B00;
	(pc) =	sbr.rel @p1 .LBB2_5-.Ltmp2, $4  }
0xd0: {  	s28 =	sand.u32 $0xFFFFFFC0, s28;
	s25 =	sshrl.u32 s25, $0x2;
	v14 =	vadd.f32 v21, v14;
	v11 =	vsub.f32 $1.500000000e+00, v25;
	[sflag:s10] =	ssyncset.done @!p2 $0x0  }
0xd1: {  	s28 =	ssub.s32 s0, s28;
	v21 =	vadd.f32 v18, v3;
	v17 =	vadd.f32 v22, v24;
	v3 =	vmul.f32 v19, v29;
	[sflag:s10] =	ssyncadd.s32 @!p2 $0xFFFFB500;
	s10 =	ssub.s32 s25, s3  }
0xd2: {  	v22 =	vmul.f32 v11, v20;
	s25 =	sand.u32 $0xFFFFFF80, s28;
	_ =	swait.ge @!p2 [sflag:s26], $0x4B00;
	s10 =	sshll.u32 s10, $0xC  }
0xd3: {  	s28 =	sand.u32 $0x70, s28;
	v15 =	vmul.f32 v3, v19;
	v3 =	vmul.f32 $5.000000000e-01, v17;
	[sflag:s26] =	ssyncset.done @!p2 $0x0;
	s25 =	sadd.s32 s10, s25  }
.LBB2_6:
0xd4: {  	[sflag:s26] =	ssyncadd.s32 @!p2 $0xFFFFB500;
	s0 =	sor.u32 s28, s25  }
0xd5: {  	v23 =	vld [tilespmem:s0+$0x180]  }
0xd6: {  	v24 =	vld [tilespmem:s0+$0x7180]  }
0xd7: {  	v25 =	vld [tilespmem:s0+$0x380]  }
0xd8: {  	v17 =	vld [tilespmem:s0+$0x80]  }
0xd9: {  	v11 =	vld [tilespmem:s0+$0x7080]  }
0xda: {  	v26 =	vld [tilespmem:s0+$0x7100]  }
0xdb: {  	v13 =	vmul.f32 @p0 v22, v13;
	v20 =	vsub.f32 @p0 $1.500000000e+00, v15;
	v15 =	vld [tilespmem:s0+$0x7000]  }
0xdc: {  	v18 =	vld [tilespmem:s0+$0x280]  }
0xdd: {  	v32 =	vld [tilespmem:s0+$0x400];
	v13 =	vmul.f32 @p0 v13, v22;
	v27 =	vmul.f32 @p0 v20, v19  }
0xde: {  	v36 =	vld [tilespmem:s0+$0x100];
	v28 =	vmul.f32 $5.000000000e-01, v24;
	v29 =	vmul.f32 $7.142857460e-02, v11  }
0xdf: {  	v19 =	vld [tilespmem:s0+$0x0];
	v30 =	vmul.f32 $5.000000000e-01, v25;
	v31 =	vmul.f32 $5.000000000e-01, v26  }
0xe0: {  	v20 =	vld [tilespmem:s0+$0x300];
	v33 =	vmul.f32 $7.142857460e-02, v17;
	v34 =	vmul.f32 $7.142857460e-02, v15  }
0xe1: {  	v55 =	vmul.f32 $5.000000000e-01, v23;
	v37 =	vmul.f32 $7.142857460e-02, v18  }
0xe2: {  	v58 =	vmul.f32 $5.000000000e-01, v32;
	v35 =	vadd.f32 v28, v29;
	v28 =	vsub.f32 v29, v28  }
0xe3: {  	v45 =	vmul.f32 $5.000000000e-01, v36;
	v38 =	vsub.f32 v34, v31;
	v31 =	vadd.f32 v31, v34  }
0xe4: {  	v56 =	vmul.f32 $7.142857460e-02, v19;
	v39 =	vadd.f32 v55, v33;
	v40 =	vsub.f32 v37, v30  }
0xe5: {  	v29 =	vsub.f32 v33, v55;
	v57 =	vmul.f32 $7.142857460e-02, v20;
	v30 =	vadd.f32 v30, v37  }
0xe6: {  	v41 =	vsub.f32 v31, v38;
	v42 =	vsub.f32 v35, v28;
	v43 =	vmin.f32 v39, v35  }
0xe7: {  	v44 =	vmax.f32 v29, v28;
	v59 =	vsub.f32 v39, v29;
	v62 =	vadd.f32 v58, v57  }
0xe8: {  	v61 =	vmax.f32 v40, v38;
	v63 =	vadd.f32 v45, v56;
	v34 =	vsub.f32 v56, v45  }
0xe9: {  	v46 =	vmin.f32 v30, v31;
	v33 =	vsub.f32 v57, v58;
	v30 =	vsub.f32 v30, v40  }
0xea: {  	v60 =	vsub.f32 v43, v44;
	v44 =	vsub.f32 v46, v61;
	v35 =	vmin.f32 v62, v35  }
0xeb: {  	v31 =	vmin.f32 v63, v31;
	v40 =	vsub.f32 v63, v34;
	v28 =	vmax.f32 v33, v28  }
0xec: {  	v33 =	vsub.f32 v62, v33;
	v34 =	vmax.f32 v34, v38;
	v28 =	vsub.f32 v35, v28  }
0xed: {  	v48 =	vld [tilespmem:s0+$0x500];
	v47 =	vmul.f32 v42, v41;
	v31 =	vsub.f32 v31, v34;
	v38 =	vmax.f32 v44, $0.0e+00  }
0xee: {  	v50 =	vld [tilespmem:s0+$0x7500];
	v37 =	vmul.f32 v59, v40;
	v30 =	vmul.f32 v33, v30;
	v28 =	vmax.f32 v28, $0.0e+00  }
0xef: {  	v51 =	vld [tilespmem:s0+$0x7380];
	v29 =	vmax.f32 v60, $0.0e+00;
	v31 =	vmax.f32 v31, $0.0e+00;
	v28 =	vmul.f32 v28, v38  }
0xf0: {  	v52 =	vld [tilespmem:s0+$0x600];
	v30 =	vadd.f32 v47, v30;
	v29 =	vmul.f32 v29, v31;
	v49 =	vadd.f32 v47, v37  }
0xf1: {  	v53 =	vld [tilespmem:s0+$0x7600];
	v13 =	vsub.f32 @p0 $1.500000000e+00, v13  }
0xf2: {  	v54 =	vld [tilespmem:s0+$0x680];
	v30 =	vsub.f32 v30, v28;
	v31 =	vsub.f32 v49, v29  }
0xf3: {  	v27 =	vmul.f32 @p0 v27, v9;
	v9 =	vld [tilespmem:s0+$0x7280];
	v13 =	vmul.f32 @p0 v13, v22  }
0xf4: {  	v55 =	vld [tilespmem:s0+$0x7680];
	v29 =	vmul.f32 v30, v29;
	v28 =	vmul.f32 v31, v28  }
0xf5: {  	v27 =	vadd.f32 @p0 v27, v27;
	v7 =	vmul.f32 @p0 v13, v7;
	v13 =	vld [tilespmem:s0+$0x7700]  }
0xf6: {  	v10 =	vmul.f32 @p0 v10, v10;
	v12 =	vadd.f32 @p0 v12, v12;
	v45 =	vld [tilespmem:s0+$0x580];
	vm0 =	vge.f32 v29, v28  }
0xf7: {  	v21 =	vsub.f32 @p0 v21, v27;
	v46 =	vld [tilespmem:s0+$0x7580];
	v25 =	vsel vm0, v36, v25;
	v26 =	vsel vm0, v26, v51  }
0xf8: {  	v16 =	vmul.f32 @p0 v16, v16;
	v8 =	vadd.f32 @p0 v10, v8;
	v57 =	vld [tilespmem:s0+$0x7400];
	v29 =	vmul.f32 v26, v25  }
0xf9: {  	v6 =	vmul.f32 @p0 v6, v6;
	v27 =	vsub.f32 v52, v53;
	v52 =	vld [tilespmem:s0+$0x900];
	v4 =	vadd.f32 @p0 v21, v4  }
0xfa: {  	v7 =	vadd.f32 @p0 v7, v7;
	v58 =	vld [tilespmem:s0+$0x780];
	v61 =	vshra.s32 v29, $0x1;
	v35 =	vmul.f32 $5.000000000e-01, v29  }
0xfb: {  	v27 =	vmul.f32 v27, v27;
	v63 =	vld [tilespmem:s0+$0x800];
	v4 =	vadd.f32 @p0 v4, v5;
	v34 =	vsub.s32 $0x5F3759DF, v61  }
0xfc: {  	v60 =	vld [tilespmem:s0+$0x7780];
	v59 =	vsub.f32 v48, v50;
	v56 =	vsub.f32 v45, v46;
	v46 =	vmul.f32 v34, v35  }
0xfd: {  	v48 =	vld [tilespmem:s0+$0x880];
	v4 =	vsub.f32 @p0 v4, v7;
	v23 =	vsel vm0, v23, v32;
	v5 =	vsel vm0, v24, v57  }
0xfe: {  	v50 =	vsub.f32 v54, v55;
	v47 =	vld [tilespmem:s0+$0x700];
	v24 =	vmul.f32 v5, v23;
	v49 =	vmul.f32 v34, v46  }
0xff: {  	v54 =	vld [tilespmem:s0+$0x7900];
	v44 =	vmul.f32 v59, v59;
	v4 =	vadd.f32 @p0 v4, v8;
	v62 =	vmul.f32 v56, v56  }
0x100: {  	v55 =	vld [tilespmem:s0+$0x980];
	v53 =	vshra.s32 v24, $0x1;
	v38 =	vmul.f32 $5.000000000e-01, v24;
	v32 =	vsub.f32 $1.500000000e+00, v49  }
0x101: {  	v40 =	vld [tilespmem:s0+$0xE00];
	v8 =	vmul.f32 v50, v50;
	v7 =	vadd.f32 v62, v44;
	v36 =	vsub.s32 $0x5F3759DF, v53  }
0x102: {  	v45 =	vld [tilespmem:s0+$0x7800];
	v58 =	vsub.f32 v58, v60;
	v56 =	vmul.f32 v36, v38;
	v32 =	vmul.f32 v34, v32  }
0x103: {  	v59 =	vld [tilespmem:s0+$0xA00];
	v39 =	vmul.f32 @p0 $5.000000000e+00, v4;
	v13 =	vsub.f32 v47, v13;
	v7 =	vadd.f32 v27, v7  }
0x104: {  	v4 =	vadd.f32 @p0 v16, v14;
	v51 =	vld [tilespmem:s0+$0x7880];
	v16 =	vmul.f32 v36, v56;
	v60 =	vmul.f32 v32, v35  }
0x105: {  	v22 =	vsub.f32 v52, v54;
	v62 =	vld [tilespmem:s0+$0xA80];
	v13 =	vmul.f32 v13, v13;
	v7 =	vadd.f32 v8, v7  }
0x106: {  	v44 =	vld [tilespmem:s0+$0x7B00];
	v12 =	vadd.f32 @p0 v39, v12;
	v16 =	vsub.f32 $1.500000000e+00, v16;
	v33 =	vmul.f32 v60, v32  }
0x107: {  	v39 =	vld [tilespmem:s0+$0xB00];
	v28 =	vsub.f32 v63, v45;
	v27 =	vmul.f32 v58, v58;
	v7 =	vadd.f32 v13, v7  }
0x108: {  	v52 =	vmul.f32 v22, v22;
	v57 =	vld [tilespmem:s0+$0x7980];
	v41 =	vmul.f32 v36, v16;
	v42 =	vsub.f32 $1.500000000e+00, v33  }
0x109: {  	v47 =	vld [tilespmem:s0+$0x7B80];
	v43 =	vmul.f32 v28, v28;
	v10 =	vsub.f32 v48, v51;
	v7 =	vadd.f32 v27, v7  }
0x10a: {  	v6 =	vadd.f32 @p0 v12, v6;
	v61 =	vld [tilespmem:s0+$0x7A00];
	v46 =	vmul.f32 v41, v38;
	v16 =	vmul.f32 v42, v32  }
0x10b: {  	v63 =	vld [tilespmem:s0+$0x7A80];
	v18 =	vsel vm0, v19, v18;
	v10 =	vmul.f32 v10, v10;
	v7 =	vadd.f32 v43, v7  }
0x10c: {  	v45 =	vld [tilespmem:s0+$0xB80];
	v17 =	vsel vm0, v17, v20;
	v33 =	vmul.f32 v46, v41;
	v50 =	vmul.f32 v16, v35  }
0x10d: {  	v9 =	vsel vm0, v15, v9;
	v53 =	vld [tilespmem:s0+$0x7C80];
	v14 =	vsub.f32 v55, v57;
	v7 =	vadd.f32 v10, v7  }
0x10e: {  	v9 =	vsub.f32 v18, v9;
	v51 =	vld [tilespmem:s0+$0xC80];
	v54 =	vsub.f32 $1.500000000e+00, v33;
	v55 =	vmul.f32 v50, v16  }
0x10f: {  	v14 =	vmul.f32 v14, v14;
	v43 =	vld [tilespmem:s0+$0x7E00];
	v48 =	vsub.f32 v59, v61;
	v7 =	vadd.f32 v52, v7  }
0x110: {  	v12 =	vsub.f32 v39, v44;
	v57 =	vld [tilespmem:s0+$0xD00];
	v13 =	vmul.f32 v54, v41;
	v58 =	vsub.f32 $1.500000000e+00, v55  }
0x111: {  	v8 =	vsub.f32 v62, v63;
	v56 =	vld [tilespmem:s0+$0x7C00];
	v21 =	vmul.f32 v48, v48;
	v7 =	vadd.f32 v14, v7  }
0x112: {  	v49 =	vld [tilespmem:s0+$0xC00];
	v59 =	vsub.f32 v45, v47;
	v63 =	vmul.f32 v13, v38;
	v62 =	vmul.f32 v58, v16  }
0x113: {  	v8 =	vmul.f32 v8, v8;
	v61 =	vld [tilespmem:s0+$0x7D00];
	v22 =	vsub.f32 v51, v53;
	v7 =	vadd.f32 v21, v7  }
0x114: {  	v51 =	vsub.f32 v40, v43;
	v60 =	vld [tilespmem:s0+$0x7300];
	v16 =	vmul.f32 v63, v13;
	v15 =	vmul.f32 v62, v29  }
0x115: {  	v31 =	vld [tilespmem:s0+$0x7D80];
	v7 =	vadd.f32 v8, v7;
	v32 =	vmul.f32 v12, v12;
	v33 =	vadd.f32 v26, v25  }
0x116: {  	v28 =	vld [tilespmem:s0+$0xD80];
	v9 =	vmul.f32 v9, v9;
	v16 =	vsub.f32 $1.500000000e+00, v16;
	v15 =	vadd.f32 v15, v15  }
0x117: {  	v44 =	vld [tilespmem:s0+$0x7200];
	v37 =	vsub.f32 v49, v56;
	v7 =	vadd.f32 v32, v7;
	v38 =	vmul.f32 v59, v59  }
0x118: {  	v36 =	vld [tilespmem:s0+$0x200];
	v10 =	vsub.f32 v57, v61;
	v13 =	vmul.f32 v16, v13;
	v12 =	vsub.f32 v33, v15  }
0x119: {  	v48 =	vld [tilespmem:s0+$0x7E80];
	v42 =	vmul.f32 v37, v37;
	v11 =	vsel vm0, v11, v60;
	v7 =	vadd.f32 v38, v7  }
0x11a: {  	v35 =	vld [tilespmem:s0+$0x480];
	v11 =	vsub.f32 v17, v11;
	v13 =	vmul.f32 v13, v24;
	v12 =	vadd.f32 v12, v23  }
0x11b: {  	v45 =	vmul.f32 v22, v22;
	v46 =	vld [tilespmem:s0+$0xE80];
	v41 =	vsub.f32 v28, v31;
	v7 =	vadd.f32 v42, v7  }
0x11c: {  	v39 =	vld [tilespmem:s0+$0x7480];
	v11 =	vmul.f32 v11, v11;
	v47 =	vadd.f32 v13, v13;
	v5 =	vadd.f32 v12, v5  }
0x11d: {  	v49 =	vmul.f32 v10, v10;
	v54 =	vsub.f32 v36, v44;
	v7 =	vadd.f32 v45, v7  }
0x11e: {  	v9 =	vadd.f32 v11, v9;
	v5 =	vsub.f32 v5, v47  }
0x11f: {  	v52 =	vmul.f32 v41, v41;
	v50 =	vsel vm0, v36, v35;
	v7 =	vadd.f32 v49, v7  }
0x120: {  	v56 =	vsub.f32 v46, v48;
	v10 =	vmul.f32 v50, v50;
	v5 =	vadd.f32 v5, v9  }
0x121: {  	v55 =	vmul.f32 v51, v51;
	v20 =	vsub.f32 v35, v39;
	v7 =	vadd.f32 v52, v7  }
0x122: {  	v53 =	vsel vm0, v35, v36;
	v10 =	vadd.f32 v10, v10;
	v5 =	vmul.f32 $5.000000000e+00, v5  }
0x123: {  	v58 =	vmul.f32 v56, v56;
	v59 =	vmul.f32 v53, v53;
	v7 =	vadd.f32 v55, v7  }
0x124: {  	v57 =	vmul.f32 v20, v20;
	v9 =	vmul.f32 v54, v54;
	v5 =	vadd.f32 v5, v10  }
0x125: {  	vm1 =	veq.f32 @p0 v1, $0.0e+00;
	v4 =	vadd.f32 @p0 v6, v4;
	v61 =	vadd.f32 v58, v7  }
0x126: {  	vm0 =	vgt.f32 @p0 v1, $0.0e+00;
	v60 =	vadd.f32 v57, v9;
	v5 =	vadd.f32 v5, v59  }
0x127: {  	v3 =	vnsel @p0 vm1, $0x0, v3;
	v4 =	vnsel @p0 vm0, $0x0, v4  }
0x128: {  	v3 =	vadd.f32 @p0 v4, v3;
	v62 =	vmul.f32 $5.000000000e-01, v60;
	v1 =	vadd.f32 v5, v61  }
0x129: {  	vm14 =	vgt.f32 v44, $0.0e+00;
	vm15 =	veq.f32 v44, $0.0e+00  }
0x12a: {  	v2 =	vadd.f32 @p0 v3, v2;
	v63 =	vnsel vm15, $0x0, v62;
	v1 =	vnsel vm14, $0x0, v1  }
0x12b: {  	v1 =	vadd.f32 v1, v63  }
0x12c: {  	v0 =	vpsel p0, v2, v0  }
0x12d: {  	v0 =	vadd.f32 v1, v0  }
0x12e: {  	s31 =	sadd.s32 $0x1, s31  }
0x12f: {  	s29 =	rddreg [dreg:$0x4];
	s1 =	simm.s32 $0xE000;
	p0 =	sne.s32 s31, s11;
	[tilespmem:$0xE000] =	vst v0  }
0x130: {  	[hbm4b:s29+s2] =	stream.linear.scatter [tilespmem:s1], [sflag:$0x5], $0x80, $0x38;
	[tilespmem:$0xE080] =	vst v63  }
.Ltmp3:
0x131: {  	_ = 	snop;
	(pc) =	sbr.rel @p0 .LBB2_1-.Ltmp3, $4  }
.Ltmp4:
0x132: {  	_ = 	snop;
	(pc) =	sbr.rel @!p0 .LBB2_7-.Ltmp4, $4  }
0x133: {  	_ =	swait.ge [sflag:s30], $0x80  }
0x134: {  	[sflag:s30] =	ssyncset.done $0x0  }
0x135: {  	[sflag:s30] =	ssyncadd.s32 $0xFFFFFF80  }
0x136: {  	_ = 	snop  }
.LBB2_2:
.Ltmp5:
0x137: {  	(pc) =	sbr.rel .LBB2_6-.Ltmp5, $2  }
0x138: {  	_ =	sdelay $0x2  }
0x139: {  	v2 =	vimm.f32 $0.0e+00  }
.LBB2_4:
.Ltmp6:
0x13a: {  	(pc) =	sbr.rel .LBB2_6-.Ltmp6, $2  }
0x13b: {  	_ =	sdelay $0x2  }
0x13c: {  	v2 =	vimm.f32 $0.0e+00  }
.LBB2_7:
0x13d: {  	_ =	sfence.sel $0x180000  }
0x13e: {  	[bflag:$0x0] =	sbarrier.arrive $0xFFFF  }
0x13f: {  	_ =	strace $0x90000047  }
0x140: {  	s0 =	stileid.u32;
	[bflag:$0x2] =	sbarrier.arrive $0xFFFF  }
0x141: {  	p0 =	sne.s32 s0, $0x0;
	s0 =	rddreg [dreg:$0x3]  }
0x142: {  	s0 =	sadd.s32 @!p0 $0x100000, s0  }
0x143: {  	[sflag:s0] =	ssyncadd.tile.s32 @!p0 $0x1;
	_ =	shalt  }
.Lfunc_end2:
_tile_overlayer_lowered:
.L_overlay_start_2:
0x144: {  	(tag) =	ssettag $0x2  }
0x145: {  	s0 =	rddreg [dreg:$0x0];
	s2 =	stileid.u32  }
0x146: {  	s1 =	rddreg [dreg:$0x1];
	p0 =	sne.s32 s2, $0x0  }
0x147: {  	s3 =	rddreg [dreg:$0x2];
	[bflag:$0x3] =	sbarrier.arrive $0xFFFF;
	s2 =	simm.s32 @!p0 $0x1C05  }
0x148: {  	[timem:s3], [sflag:s2] =	dma.local @!p0 [hbm:s0], s1  }
0x149: {  	s0 =	simm.s32 @!p0 $0x5  }
0x14a: {  	_ =	swait.ge @!p0 [sflag:s0], s1  }
0x14b: {  	s1 =	ssub.s32 @!p0 $0x0, s1;
	[sflag:s0] =	ssyncset.done @!p0 $0x0  }
0x14c: {  	[sflag:s0] =	ssyncadd.s32 @!p0 s1  }
0x14d: {  	[bflag:$0x3] =	sbarrier.arrive $0xFFFF  }
0x14e: {  	_ =	shalt  }

</sc_bundles>
